<compile_context>
chip_gen: v7x
topology: tpu7x:2x2x1
jax: 0.10.2.dev20260603
libtpu: 0.0.44.dev20260713+nightly
codegen_flags: <defaults>
</compile_context>

<pallas_src>
import functools

import jax
import jax.numpy as jnp
from jax import lax
from jax.experimental import pallas as pl
from jax.experimental.pallas import tpu as pltpu
from jax.experimental.pallas import tpu_sc as plsc

N = 10000
E = 320000
B = 200
R = 16
D = 128
L = 2

NTILES = 32
CH = 128
NCHUNK = 80
EPT = CH * NCHUNK
EPAD = EPT * NTILES
NPAD = 10112
ZR = NPAD // 16
BN = 400
GRID = N // BN
GPB = BN // (N // B)
SEG = N // B



def _tc_prep_body(x_ref, wcat_ref, wself_ref, b_ref, hall_ref, self_ref):
    xb = x_ref[...]
    hall_ref[...] = jnp.dot(xb, wcat_ref[...], preferred_element_type=jnp.float32)
    self_ref[...] = jnp.dot(xb, wself_ref[...], preferred_element_type=jnp.float32) + b_ref[...]


def _tc_prep(h, w_cat, w_self, b):
    return pl.pallas_call(
        _tc_prep_body,
        grid=(GRID,),
        in_specs=[
            pl.BlockSpec((BN, D), lambda i: (i, 0)),
            pl.BlockSpec((D, R * D), lambda i: (0, 0)),
            pl.BlockSpec((D, D), lambda i: (0, 0)),
            pl.BlockSpec((1, D), lambda i: (0, 0)),
        ],
        out_specs=[
            pl.BlockSpec((BN, R * D), lambda i: (i, 0)),
            pl.BlockSpec((BN, D), lambda i: (i, 0)),
        ],
        out_shape=[
            jax.ShapeDtypeStruct((N, R * D), jnp.float32),
            jax.ShapeDtypeStruct((N, D), jnp.float32),
        ],
    )(h, w_cat, w_self, b)


def _tc_mid_body(a0_ref, a1_ref, d0_ref, d1_ref, self_ref, wcat_ref, wself_ref,
                 b_ref, h1_ref, hall_ref, s2_ref):
    deg = jnp.maximum(d0_ref[...][:, :1] + d1_ref[...][:, :1], 1.0)
    agg = (a0_ref[...] + a1_ref[...]) / deg
    h1 = jnp.maximum(agg + self_ref[...], 0.0)
    h1_ref[...] = h1
    hall_ref[...] = jnp.dot(h1, wcat_ref[...], preferred_element_type=jnp.float32)
    s2_ref[...] = jnp.dot(h1, wself_ref[...], preferred_element_type=jnp.float32) + b_ref[...]


def _tc_mid(a0, a1, d0, d1, self1, w_cat, w_self, b):
    return pl.pallas_call(
        _tc_mid_body,
        grid=(GRID,),
        in_specs=[
            pl.BlockSpec((BN, D), lambda i: (i, 0)),
            pl.BlockSpec((BN, D), lambda i: (i, 0)),
            pl.BlockSpec((BN, D), lambda i: (i, 0)),
            pl.BlockSpec((BN, D), lambda i: (i, 0)),
            pl.BlockSpec((BN, D), lambda i: (i, 0)),
            pl.BlockSpec((D, R * D), lambda i: (0, 0)),
            pl.BlockSpec((D, D), lambda i: (0, 0)),
            pl.BlockSpec((1, D), lambda i: (0, 0)),
        ],
        out_specs=[
            pl.BlockSpec((BN, D), lambda i: (i, 0)),
            pl.BlockSpec((BN, R * D), lambda i: (i, 0)),
            pl.BlockSpec((BN, D), lambda i: (i, 0)),
        ],
        out_shape=[
            jax.ShapeDtypeStruct((N, D), jnp.float32),
            jax.ShapeDtypeStruct((N, R * D), jnp.float32),
            jax.ShapeDtypeStruct((N, D), jnp.float32),
        ],
    )(a0, a1, d0, d1, self1, w_cat, w_self, b)


def _tc_final_body(a0_ref, a1_ref, d0_ref, d1_ref, s2_ref, h1_ref, t_ref,
                   a1w_ref, a2w_ref, a3w_ref, ab_ref, bw_ref, bb_ref,
                   g1_ref, g2_ref, rel_ref, rl_ref, rw_ref, fcb_ref, out_ref):
    deg = jnp.maximum(d0_ref[...][:, :1] + d1_ref[...][:, :1], 1.0)
    h2 = jnp.maximum((a0_ref[...] + a1_ref[...]) / deg + s2_ref[...], 0.0)
    h1 = h1_ref[...]
    t = t_ref[...]
    oh = (t == lax.broadcasted_iota(jnp.int32, (BN, R), 1)).astype(jnp.float32)
    t_emb = jnp.dot(oh, rel_ref[...], preferred_element_type=jnp.float32)
    pre = (jnp.dot(h1, a1w_ref[...], preferred_element_type=jnp.float32)
           + jnp.dot(h2, a2w_ref[...], preferred_element_type=jnp.float32)
           + jnp.dot(t_emb, a3w_ref[...], preferred_element_type=jnp.float32)
           + ab_ref[...])
    z = jnp.dot(jnp.maximum(pre, 0.0), bw_ref[...],
                preferred_element_type=jnp.float32) + bb_ref[...]
    beta = jax.nn.sigmoid(z)
    u = jnp.dot(h1, g1_ref[...], preferred_element_type=jnp.float32)
    v = jnp.dot(h2, g2_ref[...], preferred_element_type=jnp.float32)
    cols = jnp.concatenate([
        beta[:, :1] * u[:, :1],
        beta[:, 1:2] * v[:, :1],
        beta[:, :1],
        beta[:, 1:2],
        u[:, 1:2] + v[:, 1:2],
        u[:, 2:3] + v[:, 2:3],
    ], axis=1)
    gi = lax.broadcasted_iota(jnp.int32, (GPB, BN), 0)
    ci = lax.broadcasted_iota(jnp.int32, (GPB, BN), 1)
    seg = (ci // SEG == gi).astype(jnp.float32)
    sh = (ci == gi * SEG).astype(jnp.float32)
    st = (ci == gi * SEG + 1).astype(jnp.float32)
    sums = jnp.dot(seg, cols[:, :4], preferred_element_type=jnp.float32)
    hv = jnp.dot(sh, cols[:, 4:5], preferred_element_type=jnp.float32)
    tv = jnp.dot(st, cols[:, 5:6], preferred_element_type=jnp.float32)
    r16 = jnp.dot(rel_ref[...], rw_ref[...], preferred_element_type=jnp.float32)
    rl = rl_ref[...]
    ohr = (rl == lax.broadcasted_iota(jnp.int32, (GPB, R), 1)).astype(jnp.float32)
    rterm = jnp.dot(ohr, r16, preferred_element_type=jnp.float32)
    out_ref[...] = (sums[:, :1] / sums[:, 2:3] + sums[:, 1:2] / sums[:, 3:4]
                    + hv + tv + rterm + fcb_ref[...])


def _tc_final(a0, a1, d0, d1, self2, h1, t_label2, a1w, a2w, a3w, ab, bw, bb,
              g1, g2, rel_emb, rel_labels2, rw, fcb):
    return pl.pallas_call(
        _tc_final_body,
        grid=(GRID,),
        in_specs=[
            pl.BlockSpec((BN, D), lambda i: (i, 0)),
            pl.BlockSpec((BN, D), lambda i: (i, 0)),
            pl.BlockSpec((BN, D), lambda i: (i, 0)),
            pl.BlockSpec((BN, D), lambda i: (i, 0)),
            pl.BlockSpec((BN, D), lambda i: (i, 0)),
            pl.BlockSpec((BN, D), lambda i: (i, 0)),
            pl.BlockSpec((BN, 1), lambda i: (i, 0)),
            pl.BlockSpec((D, D), lambda i: (0, 0)),
            pl.BlockSpec((D, D), lambda i: (0, 0)),
            pl.BlockSpec((D, D), lambda i: (0, 0)),
            pl.BlockSpec((1, D), lambda i: (0, 0)),
            pl.BlockSpec((D, L), lambda i: (0, 0)),
            pl.BlockSpec((1, L), lambda i: (0, 0)),
            pl.BlockSpec((D, 3), lambda i: (0, 0)),
            pl.BlockSpec((D, 3), lambda i: (0, 0)),
            pl.BlockSpec((R, D), lambda i: (0, 0)),
            pl.BlockSpec((GPB, 1), lambda i: (i, 0)),
            pl.BlockSpec((D, 1), lambda i: (0, 0)),
            pl.BlockSpec((1, 1), lambda i: (0, 0)),
        ],
        out_specs=pl.BlockSpec((GPB, 1), lambda i: (i, 0)),
        out_shape=jax.ShapeDtypeStruct((B, 1), jnp.float32),
    )(a0, a1, d0, d1, self2, h1, t_label2, a1w, a2w, a3w, ab, bw, bb,
      g1, g2, rel_emb, rel_labels2, rw, fcb)



def _sc_acc_pass(table, row_ids, dst_rows, zacc, do_gather=True):
    mesh = plsc.VectorSubcoreMesh(core_axis_name="c", subcore_axis_name="s")

    @functools.partial(
        pl.kernel,
        out_type=jax.ShapeDtypeStruct((2, NPAD, D), jnp.float32),
        mesh=mesh,
        scratch_types=[
            pltpu.VMEM_SHARED((NPAD, D), jnp.float32),
            pltpu.VMEM((CH,), jnp.int32),
            pltpu.VMEM((CH,), jnp.int32),
            pltpu.VMEM((CH,), jnp.int32),
            pltpu.VMEM((CH,), jnp.int32),
            pltpu.VMEM((CH, D), jnp.float32),
            pltpu.VMEM((CH, D), jnp.float32),
            pltpu.SemaphoreType.DMA,
            pltpu.SemaphoreType.DMA,
            pltpu.SemaphoreType.DMA,
            pltpu.SemaphoreType.DMA,
            pltpu.SemaphoreType.DMA,
            pltpu.SemaphoreType.DMA,
        ],
    )
    def k(table_ref, rid_ref, drow_ref, zacc_ref, acc_out, acc_s,
          rid0, rid1, drow0, drow1, rows0, rows1, si0, si1, sg0, sg1, ss0, ss1):
        c = lax.axis_index("c")
        s = lax.axis_index("s")
        wid = c * 16 + s
        pltpu.async_copy(zacc_ref, acc_s.at[pl.ds(s * ZR, ZR)], sg0).wait()
        if not do_gather:
            pltpu.async_copy(table_ref, rows0, sg0).wait()
            pltpu.async_copy(table_ref, rows1, sg1).wait()
        plsc.subcore_barrier()

        if do_gather:
            pltpu.async_copy(rid_ref.at[wid, pl.ds(0, CH)], rid0, si0)
            pltpu.async_copy(rid_ref.at[wid, pl.ds(CH, CH)], rid1, si1)
        pltpu.async_copy(drow_ref.at[wid, 0], drow0, si0)
        pltpu.async_copy(drow_ref.at[wid, 1], drow1, si1)

        def proc(c0, c1, prefetch):
            pltpu.make_async_copy(drow_ref.at[wid, c0], drow0, si0).wait()
            if do_gather:
                pltpu.make_async_copy(
                    rid_ref.at[wid, pl.ds(c0 * CH, CH)], rid0, si0).wait()
                g0 = pltpu.async_copy(table_ref.at[rid0], rows0, sg0)
            pltpu.make_async_copy(drow_ref.at[wid, c1], drow1, si1).wait()
            if do_gather:
                pltpu.make_async_copy(
                    rid_ref.at[wid, pl.ds(c1 * CH, CH)], rid1, si1).wait()
                g1 = pltpu.async_copy(table_ref.at[rid1], rows1, sg1)
                g0.wait()
            s0 = pltpu.async_copy(rows0, acc_s.at[drow0], ss0, add=True)
            if prefetch and do_gather:
                pltpu.async_copy(
                    rid_ref.at[wid, pl.ds((c0 + 2) * CH, CH)], rid0, si0)
            if do_gather:
                g1.wait()
            s1 = pltpu.async_copy(rows1, acc_s.at[drow1], ss1, add=True)
            if prefetch and do_gather:
                pltpu.async_copy(
                    rid_ref.at[wid, pl.ds((c1 + 2) * CH, CH)], rid1, si1)
            s0.wait()
            if prefetch:
                pltpu.async_copy(drow_ref.at[wid, c0 + 2], drow0, si0)
            s1.wait()
            if prefetch:
                pltpu.async_copy(drow_ref.at[wid, c1 + 2], drow1, si1)

        @pl.loop(0, NCHUNK // 2 - 1)
        def _(it):
            proc(it * 2, it * 2 + 1, True)

        proc(NCHUNK - 2, NCHUNK - 1, False)
        plsc.subcore_barrier()
        pltpu.async_copy(acc_s.at[pl.ds(s * ZR, ZR)],
                         acc_out.at[c, pl.ds(s * ZR, ZR)], sg0).wait()

    return k(table, row_ids, dst_rows, zacc)



def kernel(x, edge_index, edge_type, t_label, graph_ids, node_role, rel_labels,
           W_rel, W_self, b_gcn, rel_emb_table, A_W, A_b, B_W, B_b, fc_W, fc_b):
    src = edge_index[0].astype(jnp.int32)
    dst = edge_index[1].astype(jnp.int32)
    row_ids = src * R + edge_type.astype(jnp.int32)
    pad = EPAD - E
    pad_rows = jnp.arange(pad, dtype=jnp.int32)
    row_p = jnp.concatenate([row_ids, pad_rows % (N * R)]).reshape(NTILES, EPT)
    dst_p = jnp.concatenate([dst, N + pad_rows % (NPAD - N)]).reshape(NTILES, NCHUNK, CH)

    w_cat0 = W_rel[0].transpose(1, 0, 2).reshape(D, R * D)
    w_cat1 = W_rel[1].transpose(1, 0, 2).reshape(D, R * D)
    b0 = b_gcn[0].reshape(1, D)
    b1 = b_gcn[1].reshape(1, D)

    zacc = jnp.zeros((ZR, D), jnp.float32)

    dst_rid = dst_p.reshape(NTILES, EPT)

    degp = _sc_acc_pass(jnp.ones((CH, D), jnp.float32), dst_rid, dst_p, zacc,
                        do_gather=False)
    d0, d1 = degp[0, :N], degp[1, :N]

    hall1, self1 = _tc_prep(x, w_cat0, W_self[0], b0)
    accp1 = _sc_acc_pass(hall1.reshape(N * R, D), row_p, dst_p, zacc)
    a0, a1 = accp1[0, :N], accp1[1, :N]

    h1, hall2, self2 = _tc_mid(a0, a1, d0, d1, self1, w_cat1, W_self[1], b1)
    accp2 = _sc_acc_pass(hall2.reshape(N * R, D), row_p, dst_p, zacc)

    a1w = A_W[:D]
    a2w = A_W[D:2 * D]
    a3w = A_W[2 * D:]
    ab = A_b.reshape(1, D)
    bb = B_b.reshape(1, L)
    g1 = jnp.stack([fc_W[:D, 0], fc_W[2 * D:3 * D, 0], fc_W[4 * D:5 * D, 0]], axis=1)
    g2 = jnp.stack([fc_W[D:2 * D, 0], fc_W[3 * D:4 * D, 0], fc_W[5 * D:6 * D, 0]], axis=1)
    rw = fc_W[6 * D:]
    fcb = fc_b.reshape(1, 1)
    t_label2 = t_label.astype(jnp.int32).reshape(N, 1)
    rel_labels2 = rel_labels.astype(jnp.int32).reshape(B, 1)

    out = _tc_final(accp2[0, :N], accp2[1, :N], d0, d1, self2, h1, t_label2,
                    a1w, a2w, a3w, ab, bw=B_W, bb=bb, g1=g1, g2=g2,
                    rel_emb=rel_emb_table, rel_labels2=rel_labels2, rw=rw, fcb=fcb)
    return out

# --- scband reference (transcript-rebuilt; emitter-appended) ---
"""Pipeline reference for scband-graph-classifier-79920751444156 (READ-ONLY COPY).

The authoritative reference and input builder live on the scoring server;
editing this copy changes nothing except your own understanding.
"""

import jax, jax.numpy as jnp
import numpy as np

N = 10000
E = 320000
B = 200
R = 16
D = 128
REL_DIM = 128
L = 2


def setup_inputs(seed: int = 0):
    key = jax.random.key(seed)
    ks = jax.random.split(key, 16)
    s = 0.05
    x = jax.random.normal(ks[0], (N, D), dtype=jnp.float32)
    edge_index = jax.random.randint(ks[1], (2, E), 0, N)
    edge_type = jax.random.randint(ks[2], (E,), 0, R)
    t_label = jax.random.randint(ks[3], (N,), 0, R)
    rel_labels = jax.random.randint(ks[4], (B,), 0, R)
    graph_ids = jnp.repeat(jnp.arange(B), N // B)
    starts = jnp.arange(B) * (N // B)
    node_role = jnp.zeros((N,), dtype=jnp.int32).at[starts].set(1).at[starts + 1].set(2)
    W_rel = jax.random.normal(ks[5], (L, R, D, D), dtype=jnp.float32) * s
    W_self = jax.random.normal(ks[6], (L, D, D), dtype=jnp.float32) * s
    b_gcn = jnp.zeros((L, D), dtype=jnp.float32)
    rel_emb_table = jax.random.normal(ks[7], (R, REL_DIM), dtype=jnp.float32) * s
    A_W = jax.random.normal(ks[8], (L * D + REL_DIM, D), dtype=jnp.float32) * s
    A_b = jnp.zeros((D,), dtype=jnp.float32)
    B_W = jax.random.normal(ks[9], (D, L), dtype=jnp.float32) * s
    B_b = jnp.zeros((L,), dtype=jnp.float32)
    fc_W = jax.random.normal(ks[10], (3 * L * D + REL_DIM, 1), dtype=jnp.float32) * s
    fc_b = jnp.zeros((1,), dtype=jnp.float32)
    return {"x": x, "edge_index": edge_index, "edge_type": edge_type, "t_label": t_label,
            "graph_ids": graph_ids, "node_role": node_role, "rel_labels": rel_labels,
            "W_rel": W_rel, "W_self": W_self, "b_gcn": b_gcn, "rel_emb_table": rel_emb_table,
            "A_W": A_W, "A_b": A_b, "B_W": B_W, "B_b": B_b, "fc_W": fc_W, "fc_b": fc_b}


def reference(x, edge_index, edge_type, t_label, graph_ids, node_role, rel_labels,
              W_rel, W_self, b_gcn, rel_emb_table, A_W, A_b, B_W, B_b, fc_W, fc_b):
    src = edge_index[0]
    dst = edge_index[1]
    deg = jnp.maximum(jnp.zeros((N,), jnp.float32).at[dst].add(1.0), 1.0)
    h = x
    reprs = []
    for l in range(L):
        # RGCN layer: per-relation transform, gather per edge, mean-aggregate at dst, self-loop
        h_all = jnp.einsum('nd,rdo->nro', h, W_rel[l])
        msg = h_all[src, edge_type]
        agg = jnp.zeros((N, D), jnp.float32).at[dst].add(msg) / deg[:, None]
        h = jax.nn.relu(agg + h @ W_self[l] + b_gcn[l])
        reprs.append(h)
    repr_ = jnp.stack(reprs, axis=1)  # [N, L, D] == g.ndata['repr']
    repr_flat = repr_.reshape(N, L * D)
    t_emb = rel_emb_table[t_label]
    beta = jax.nn.sigmoid(jax.nn.relu(jnp.concatenate([repr_flat, t_emb], axis=1) @ A_W + A_b) @ B_W + B_b)[:, :, None]
    # weighted mean_nodes(g, 'repr', 'beta')
    num = jax.ops.segment_sum((repr_ * beta).reshape(N, L * D), graph_ids, num_segments=B)
    den = jax.ops.segment_sum(beta.reshape(N, L), graph_ids, num_segments=B)
    g_out = num.reshape(B, L, D) / den.reshape(B, L, 1)
    head_ids = jnp.flatnonzero(node_role == 1, size=B)
    tail_ids = jnp.flatnonzero(node_role == 2, size=B)
    head = repr_[head_ids].reshape(B, L * D)
    tail = repr_[tail_ids].reshape(B, L * D)
    g_rep = jnp.concatenate([g_out.reshape(B, L * D), head, tail, rel_emb_table[rel_labels]], axis=1)
    return g_rep @ fc_W + fc_b

if __name__ == "__main__":
    import jax
    _d = setup_inputs()
    print(jax.jit(kernel)(*tuple(_d.values())))

</pallas_src>

<mosaic_0001>
#map = affine_map<(d0, d1) -> (0, 0)>
#map1 = affine_map<(d0, d1) -> (0, 0, 0)>
module attributes {stable_mosaic.version = 14 : i64} {
  func.func @k(%arg0: i32, %arg1: i32, %arg2: memref<160000x128xf32, #tpu.memory_space<hbm>>, %arg3: memref<32x10240xi32, #tpu.memory_space<hbm>>, %arg4: memref<32x80x128xi32, #tpu.memory_space<hbm>>, %arg5: memref<632x128xf32, #tpu.memory_space<hbm>>, %arg6: memref<2x10112x128xf32, #tpu.memory_space<hbm>>, %arg7: memref<10112x128xf32, #tpu.memory_space<vmem_shared>>, %arg8: memref<128xi32, #tpu.memory_space<vmem>>, %arg9: memref<128xi32, #tpu.memory_space<vmem>>, %arg10: memref<128xi32, #tpu.memory_space<vmem>>, %arg11: memref<128xi32, #tpu.memory_space<vmem>>, %arg12: memref<128x128xf32, #tpu.memory_space<vmem>>, %arg13: memref<128x128xf32, #tpu.memory_space<vmem>>, %arg14: memref<!tpu.dma_semaphore, #tpu.memory_space<semaphore_mem>>, %arg15: memref<!tpu.dma_semaphore, #tpu.memory_space<semaphore_mem>>, %arg16: memref<!tpu.dma_semaphore, #tpu.memory_space<semaphore_mem>>, %arg17: memref<!tpu.dma_semaphore, #tpu.memory_space<semaphore_mem>>, %arg18: memref<!tpu.dma_semaphore, #tpu.memory_space<semaphore_mem>>, %arg19: memref<!tpu.dma_semaphore, #tpu.memory_space<semaphore_mem>>) attributes {dimension_semantics = [#tpu.dimension_semantics<core_parallel>, #tpu.dimension_semantics<subcore_parallel>], iteration_bounds = array<i64: 2, 16>, scalar_prefetch = 0 : i64, scratch_operands = 13 : i64, tpu.core_type = #tpu.core_type<sc_vector_subcore>, window_params = [{transform_indices = #map}, {transform_indices = #map}, {transform_indices = #map1}, {transform_indices = #map}, {transform_indices = #map1}]} {
    %mul3A = arith.constant 16 : i32
    %mul3A_0 = arith.muli %arg0, %mul3A : i32
    %add3A = arith.addi %mul3A_0, %arg1 : i32
    %mul3A_1 = arith.constant 632 : i32
    %mul3A_2 = arith.muli %arg1, %mul3A_1 : i32
    %dma_start3A = arith.constant 0 : i32
    %dma_start3A_3 = tpu.memref_slice %arg7[%mul3A_2, %dma_start3A] : memref<10112x128xf32, #tpu.memory_space<vmem_shared>> -> memref<632x128xf32, #tpu.memory_space<vmem_shared>>
    tpu.enqueue_dma source(%arg5 : memref<632x128xf32, #tpu.memory_space<hbm>>) target(%dma_start3A_3 : memref<632x128xf32, #tpu.memory_space<vmem_shared>>) target_semaphore(%arg16 : memref<!tpu.dma_semaphore, #tpu.memory_space<semaphore_mem>>)
    %dma_wait3A = arith.constant 0 : i32
    %dma_wait3A_4 = tpu.memref_slice %arg7[%mul3A_2, %dma_wait3A] : memref<10112x128xf32, #tpu.memory_space<vmem_shared>> -> memref<632x128xf32, #tpu.memory_space<vmem_shared>>
    tpu.wait_dma2 semaphore(%arg16 : memref<!tpu.dma_semaphore, #tpu.memory_space<semaphore_mem>>) src(%arg5 : memref<632x128xf32, #tpu.memory_space<hbm>>) dst(%dma_wait3A_4 : memref<632x128xf32, #tpu.memory_space<vmem_shared>>)
    %barrier3A = arith.constant 0 : index
    tpu.barrier barrier_id(%barrier3A)
    %dma_start3A_5 = arith.constant 0 : i32
    %dma_start3A_6 = tpu.memref_slice %arg3[%add3A, %dma_start3A_5] : memref<32x10240xi32, #tpu.memory_space<hbm>> -> memref<1x128xi32, #tpu.memory_space<hbm>>
    %dma_start3A_7 = tpu.memref_squeeze %dma_start3A_6 : memref<1x128xi32, #tpu.memory_space<hbm>> -> memref<128xi32, #tpu.memory_space<hbm>>
    %dma_start3A_8 = arith.constant 0 : i32
    %dma_start3A_9 = tpu.memref_slice %arg3[%add3A, %dma_start3A_8] : memref<32x10240xi32, #tpu.memory_space<hbm>> -> memref<1x128xi32, #tpu.memory_space<hbm>>
    %dma_start3A_10 = tpu.memref_squeeze %dma_start3A_9 : memref<1x128xi32, #tpu.memory_space<hbm>> -> memref<128xi32, #tpu.memory_space<hbm>>
    tpu.enqueue_dma source(%dma_start3A_10 : memref<128xi32, #tpu.memory_space<hbm>>) target(%arg8 : memref<128xi32, #tpu.memory_space<vmem>>) target_semaphore(%arg14 : memref<!tpu.dma_semaphore, #tpu.memory_space<semaphore_mem>>)
    %dma_start3A_11 = arith.constant 128 : i32
    %dma_start3A_12 = tpu.memref_slice %arg3[%add3A, %dma_start3A_11] : memref<32x10240xi32, #tpu.memory_space<hbm>> -> memref<1x128xi32, #tpu.memory_space<hbm>>
    %dma_start3A_13 = tpu.memref_squeeze %dma_start3A_12 : memref<1x128xi32, #tpu.memory_space<hbm>> -> memref<128xi32, #tpu.memory_space<hbm>>
    %dma_start3A_14 = arith.constant 128 : i32
    %dma_start3A_15 = tpu.memref_slice %arg3[%add3A, %dma_start3A_14] : memref<32x10240xi32, #tpu.memory_space<hbm>> -> memref<1x128xi32, #tpu.memory_space<hbm>>
    %dma_start3A_16 = tpu.memref_squeeze %dma_start3A_15 : memref<1x128xi32, #tpu.memory_space<hbm>> -> memref<128xi32, #tpu.memory_space<hbm>>
    tpu.enqueue_dma source(%dma_start3A_16 : memref<128xi32, #tpu.memory_space<hbm>>) target(%arg9 : memref<128xi32, #tpu.memory_space<vmem>>) target_semaphore(%arg15 : memref<!tpu.dma_semaphore, #tpu.memory_space<semaphore_mem>>)
    %dma_start3A_17 = arith.constant 0 : i32
    %dma_start3A_18 = arith.constant 0 : i32
    %dma_start3A_19 = tpu.memref_slice %arg4[%add3A, %dma_start3A_17, %dma_start3A_18] : memref<32x80x128xi32, #tpu.memory_space<hbm>> -> memref<1x1x128xi32, #tpu.memory_space<hbm>>
    %dma_start3A_20 = tpu.memref_squeeze %dma_start3A_19 : memref<1x1x128xi32, #tpu.memory_space<hbm>> -> memref<128xi32, #tpu.memory_space<hbm>>
    %dma_start3A_21 = arith.constant 0 : i32
    %dma_start3A_22 = tpu.memref_slice %arg4[%add3A, %dma_start3A_17, %dma_start3A_21] : memref<32x80x128xi32, #tpu.memory_space<hbm>> -> memref<1x1x128xi32, #tpu.memory_space<hbm>>
    %dma_start3A_23 = tpu.memref_squeeze %dma_start3A_22 : memref<1x1x128xi32, #tpu.memory_space<hbm>> -> memref<128xi32, #tpu.memory_space<hbm>>
    tpu.enqueue_dma source(%dma_start3A_23 : memref<128xi32, #tpu.memory_space<hbm>>) target(%arg10 : memref<128xi32, #tpu.memory_space<vmem>>) target_semaphore(%arg14 : memref<!tpu.dma_semaphore, #tpu.memory_space<semaphore_mem>>)
    %dma_start3A_24 = arith.constant 1 : i32
    %dma_start3A_25 = arith.constant 0 : i32
    %dma_start3A_26 = tpu.memref_slice %arg4[%add3A, %dma_start3A_24, %dma_start3A_25] : memref<32x80x128xi32, #tpu.memory_space<hbm>> -> memref<1x1x128xi32, #tpu.memory_space<hbm>>
    %dma_start3A_27 = tpu.memref_squeeze %dma_start3A_26 : memref<1x1x128xi32, #tpu.memory_space<hbm>> -> memref<128xi32, #tpu.memory_space<hbm>>
    %dma_start3A_28 = arith.constant 0 : i32
    %dma_start3A_29 = tpu.memref_slice %arg4[%add3A, %dma_start3A_24, %dma_start3A_28] : memref<32x80x128xi32, #tpu.memory_space<hbm>> -> memref<1x1x128xi32, #tpu.memory_space<hbm>>
    %dma_start3A_30 = tpu.memref_squeeze %dma_start3A_29 : memref<1x1x128xi32, #tpu.memory_space<hbm>> -> memref<128xi32, #tpu.memory_space<hbm>>
    tpu.enqueue_dma source(%dma_start3A_30 : memref<128xi32, #tpu.memory_space<hbm>>) target(%arg11 : memref<128xi32, #tpu.memory_space<vmem>>) target_semaphore(%arg15 : memref<!tpu.dma_semaphore, #tpu.memory_space<semaphore_mem>>)
    %scan3A = arith.constant 0 : i32
    %scan3A_31 = arith.constant 39 : i32
    %scan3A_32 = arith.addi %scan3A, %scan3A_31 : i32
    %scan3A_33 = arith.constant 1 : i32
    scf.for %scan3A_100 = %scan3A to %scan3A_32 step %scan3A_33  : i32 {
      %mul3A_101 = arith.constant 1 : i32
      %mul3A_102 = arith.muli %scan3A_100, %mul3A_101 : i32
      %add3A_103 = arith.constant 0 : i32
      %add3A_104 = arith.addi %add3A_103, %mul3A_102 : i32
      %mul3A_105 = arith.constant 2 : i32
      %mul3A_106 = arith.muli %add3A_104, %mul3A_105 : i32
      %mul3A_107 = arith.constant 2 : i32
      %mul3A_108 = arith.muli %add3A_104, %mul3A_107 : i32
      %add3A_109 = arith.constant 1 : i32
      %add3A_110 = arith.addi %mul3A_108, %add3A_109 : i32
      %dma_wait3A_111 = arith.constant 0 : i32
      %dma_wait3A_112 = tpu.memref_slice %arg4[%add3A, %mul3A_106, %dma_wait3A_111] : memref<32x80x128xi32, #tpu.memory_space<hbm>> -> memref<1x1x128xi32, #tpu.memory_space<hbm>>
      %dma_wait3A_113 = tpu.memref_squeeze %dma_wait3A_112 : memref<1x1x128xi32, #tpu.memory_space<hbm>> -> memref<128xi32, #tpu.memory_space<hbm>>
      %dma_wait3A_114 = arith.constant 0 : i32
      %dma_wait3A_115 = tpu.memref_slice %arg4[%add3A, %mul3A_106, %dma_wait3A_114] : memref<32x80x128xi32, #tpu.memory_space<hbm>> -> memref<1x1x128xi32, #tpu.memory_space<hbm>>
      %dma_wait3A_116 = tpu.memref_squeeze %dma_wait3A_115 : memref<1x1x128xi32, #tpu.memory_space<hbm>> -> memref<128xi32, #tpu.memory_space<hbm>>
      tpu.wait_dma2 semaphore(%arg14 : memref<!tpu.dma_semaphore, #tpu.memory_space<semaphore_mem>>) src(%dma_wait3A_116 : memref<128xi32, #tpu.memory_space<hbm>>) dst(%arg10 : memref<128xi32, #tpu.memory_space<vmem>>)
      %mul3A_117 = arith.constant 128 : i32
      %mul3A_118 = arith.muli %mul3A_106, %mul3A_117 : i32
      %dma_wait3A_119 = tpu.memref_slice %arg3[%add3A, %mul3A_118] : memref<32x10240xi32, #tpu.memory_space<hbm>> -> memref<1x128xi32, #tpu.memory_space<hbm>>
      %dma_wait3A_120 = tpu.memref_squeeze %dma_wait3A_119 : memref<1x128xi32, #tpu.memory_space<hbm>> -> memref<128xi32, #tpu.memory_space<hbm>>
      %dma_wait3A_121 = tpu.memref_slice %arg3[%add3A, %mul3A_118] : memref<32x10240xi32, #tpu.memory_space<hbm>> -> memref<1x128xi32, #tpu.memory_space<hbm>>
      %dma_wait3A_122 = tpu.memref_squeeze %dma_wait3A_121 : memref<1x128xi32, #tpu.memory_space<hbm>> -> memref<128xi32, #tpu.memory_space<hbm>>
      tpu.wait_dma2 semaphore(%arg14 : memref<!tpu.dma_semaphore, #tpu.memory_space<semaphore_mem>>) src(%dma_wait3A_122 : memref<128xi32, #tpu.memory_space<hbm>>) dst(%arg8 : memref<128xi32, #tpu.memory_space<vmem>>)
      %dma_start3A_123 = arith.constant 0 : i32
      %dma_start3A_124 = arith.constant 0 : i32
      %dma_start3A_125 = tpu.memref_slice %arg2[%dma_start3A_123, %dma_start3A_124] : memref<160000x128xf32, #tpu.memory_space<hbm>> -> memref<160000x128xf32, #tpu.memory_space<hbm>>
      tpu.enqueue_indirect_dma source(%dma_start3A_125 : memref<160000x128xf32, #tpu.memory_space<hbm>>) target(%arg12 : memref<128x128xf32, #tpu.memory_space<vmem>>) offsets(%arg8 : memref<128xi32, #tpu.memory_space<vmem>>) semaphore(%arg16 : memref<!tpu.dma_semaphore, #tpu.memory_space<semaphore_mem>>)
      %dma_wait3A_126 = arith.constant 0 : i32
      %dma_wait3A_127 = tpu.memref_slice %arg4[%add3A, %add3A_110, %dma_wait3A_126] : memref<32x80x128xi32, #tpu.memory_space<hbm>> -> memref<1x1x128xi32, #tpu.memory_space<hbm>>
      %dma_wait3A_128 = tpu.memref_squeeze %dma_wait3A_127 : memref<1x1x128xi32, #tpu.memory_space<hbm>> -> memref<128xi32, #tpu.memory_space<hbm>>
      %dma_wait3A_129 = arith.constant 0 : i32
      %dma_wait3A_130 = tpu.memref_slice %arg4[%add3A, %add3A_110, %dma_wait3A_129] : memref<32x80x128xi32, #tpu.memory_space<hbm>> -> memref<1x1x128xi32, #tpu.memory_space<hbm>>
      %dma_wait3A_131 = tpu.memref_squeeze %dma_wait3A_130 : memref<1x1x128xi32, #tpu.memory_space<hbm>> -> memref<128xi32, #tpu.memory_space<hbm>>
      tpu.wait_dma2 semaphore(%arg15 : memref<!tpu.dma_semaphore, #tpu.memory_space<semaphore_mem>>) src(%dma_wait3A_131 : memref<128xi32, #tpu.memory_space<hbm>>) dst(%arg11 : memref<128xi32, #tpu.memory_space<vmem>>)
      %mul3A_132 = arith.constant 128 : i32
      %mul3A_133 = arith.muli %add3A_110, %mul3A_132 : i32
      %dma_wait3A_134 = tpu.memref_slice %arg3[%add3A, %mul3A_133] : memref<32x10240xi32, #tpu.memory_space<hbm>> -> memref<1x128xi32, #tpu.memory_space<hbm>>
      %dma_wait3A_135 = tpu.memref_squeeze %dma_wait3A_134 : memref<1x128xi32, #tpu.memory_space<hbm>> -> memref<128xi32, #tpu.memory_space<hbm>>
      %dma_wait3A_136 = tpu.memref_slice %arg3[%add3A, %mul3A_133] : memref<32x10240xi32, #tpu.memory_space<hbm>> -> memref<1x128xi32, #tpu.memory_space<hbm>>
      %dma_wait3A_137 = tpu.memref_squeeze %dma_wait3A_136 : memref<1x128xi32, #tpu.memory_space<hbm>> -> memref<128xi32, #tpu.memory_space<hbm>>
      tpu.wait_dma2 semaphore(%arg15 : memref<!tpu.dma_semaphore, #tpu.memory_space<semaphore_mem>>) src(%dma_wait3A_137 : memref<128xi32, #tpu.memory_space<hbm>>) dst(%arg9 : memref<128xi32, #tpu.memory_space<vmem>>)
      %dma_start3A_138 = arith.constant 0 : i32
      %dma_start3A_139 = arith.constant 0 : i32
      %dma_start3A_140 = tpu.memref_slice %arg2[%dma_start3A_138, %dma_start3A_139] : memref<160000x128xf32, #tpu.memory_space<hbm>> -> memref<160000x128xf32, #tpu.memory_space<hbm>>
      tpu.enqueue_indirect_dma source(%dma_start3A_140 : memref<160000x128xf32, #tpu.memory_space<hbm>>) target(%arg13 : memref<128x128xf32, #tpu.memory_space<vmem>>) offsets(%arg9 : memref<128xi32, #tpu.memory_space<vmem>>) semaphore(%arg17 : memref<!tpu.dma_semaphore, #tpu.memory_space<semaphore_mem>>)
      %dma_wait3A_141 = arith.constant 0 : i32
      %dma_wait3A_142 = arith.constant 0 : i32
      %dma_wait3A_143 = tpu.memref_slice %arg2[%dma_wait3A_141, %dma_wait3A_142] : memref<160000x128xf32, #tpu.memory_space<hbm>> -> memref<160000x128xf32, #tpu.memory_space<hbm>>
      tpu.wait_indirect_dma semaphore(%arg16 : memref<!tpu.dma_semaphore, #tpu.memory_space<semaphore_mem>>) src(%dma_wait3A_143 : memref<160000x128xf32, #tpu.memory_space<hbm>>) dst(%arg12 : memref<128x128xf32, #tpu.memory_space<vmem>>)
      %dma_start3A_144 = arith.constant 0 : i32
      %dma_start3A_145 = arith.constant 0 : i32
      %dma_start3A_146 = tpu.memref_slice %arg7[%dma_start3A_144, %dma_start3A_145] : memref<10112x128xf32, #tpu.memory_space<vmem_shared>> -> memref<10112x128xf32, #tpu.memory_space<vmem_shared>>
      tpu.enqueue_indirect_dma source(%arg12 : memref<128x128xf32, #tpu.memory_space<vmem>>) target(%dma_start3A_146 : memref<10112x128xf32, #tpu.memory_space<vmem_shared>>) offsets(%arg10 : memref<128xi32, #tpu.memory_space<vmem>>) semaphore(%arg18 : memref<!tpu.dma_semaphore, #tpu.memory_space<semaphore_mem>>) {add = true}
      %add3A_147 = arith.constant 2 : i32
      %add3A_148 = arith.addi %mul3A_106, %add3A_147 : i32
      %mul3A_149 = arith.constant 128 : i32
      %mul3A_150 = arith.muli %add3A_148, %mul3A_149 : i32
      %dma_start3A_151 = tpu.memref_slice %arg3[%add3A, %mul3A_150] : memref<32x10240xi32, #tpu.memory_space<hbm>> -> memref<1x128xi32, #tpu.memory_space<hbm>>
      %dma_start3A_152 = tpu.memref_squeeze %dma_start3A_151 : memref<1x128xi32, #tpu.memory_space<hbm>> -> memref<128xi32, #tpu.memory_space<hbm>>
      %dma_start3A_153 = tpu.memref_slice %arg3[%add3A, %mul3A_150] : memref<32x10240xi32, #tpu.memory_space<hbm>> -> memref<1x128xi32, #tpu.memory_space<hbm>>
      %dma_start3A_154 = tpu.memref_squeeze %dma_start3A_153 : memref<1x128xi32, #tpu.memory_space<hbm>> -> memref<128xi32, #tpu.memory_space<hbm>>
      tpu.enqueue_dma source(%dma_start3A_154 : memref<128xi32, #tpu.memory_space<hbm>>) target(%arg8 : memref<128xi32, #tpu.memory_space<vmem>>) target_semaphore(%arg14 : memref<!tpu.dma_semaphore, #tpu.memory_space<semaphore_mem>>)
      %dma_wait3A_155 = arith.constant 0 : i32
      %dma_wait3A_156 = arith.constant 0 : i32
      %dma_wait3A_157 = tpu.memref_slice %arg2[%dma_wait3A_155, %dma_wait3A_156] : memref<160000x128xf32, #tpu.memory_space<hbm>> -> memref<160000x128xf32, #tpu.memory_space<hbm>>
      tpu.wait_indirect_dma semaphore(%arg17 : memref<!tpu.dma_semaphore, #tpu.memory_space<semaphore_mem>>) src(%dma_wait3A_157 : memref<160000x128xf32, #tpu.memory_space<hbm>>) dst(%arg13 : memref<128x128xf32, #tpu.memory_space<vmem>>)
      %dma_start3A_158 = arith.constant 0 : i32
      %dma_start3A_159 = arith.constant 0 : i32
      %dma_start3A_160 = tpu.memref_slice %arg7[%dma_start3A_158, %dma_start3A_159] : memref<10112x128xf32, #tpu.memory_space<vmem_shared>> -> memref<10112x128xf32, #tpu.memory_space<vmem_shared>>
      tpu.enqueue_indirect_dma source(%arg13 : memref<128x128xf32, #tpu.memory_space<vmem>>) target(%dma_start3A_160 : memref<10112x128xf32, #tpu.memory_space<vmem_shared>>) offsets(%arg11 : memref<128xi32, #tpu.memory_space<vmem>>) semaphore(%arg19 : memref<!tpu.dma_semaphore, #tpu.memory_space<semaphore_mem>>) {add = true}
      %add3A_161 = arith.constant 2 : i32
      %add3A_162 = arith.addi %add3A_110, %add3A_161 : i32
      %mul3A_163 = arith.constant 128 : i32
      %mul3A_164 = arith.muli %add3A_162, %mul3A_163 : i32
      %dma_start3A_165 = tpu.memref_slice %arg3[%add3A, %mul3A_164] : memref<32x10240xi32, #tpu.memory_space<hbm>> -> memref<1x128xi32, #tpu.memory_space<hbm>>
      %dma_start3A_166 = tpu.memref_squeeze %dma_start3A_165 : memref<1x128xi32, #tpu.memory_space<hbm>> -> memref<128xi32, #tpu.memory_space<hbm>>
      %dma_start3A_167 = tpu.memref_slice %arg3[%add3A, %mul3A_164] : memref<32x10240xi32, #tpu.memory_space<hbm>> -> memref<1x128xi32, #tpu.memory_space<hbm>>
      %dma_start3A_168 = tpu.memref_squeeze %dma_start3A_167 : memref<1x128xi32, #tpu.memory_space<hbm>> -> memref<128xi32, #tpu.memory_space<hbm>>
      tpu.enqueue_dma source(%dma_start3A_168 : memref<128xi32, #tpu.memory_space<hbm>>) target(%arg9 : memref<128xi32, #tpu.memory_space<vmem>>) target_semaphore(%arg15 : memref<!tpu.dma_semaphore, #tpu.memory_space<semaphore_mem>>)
      %dma_wait3A_169 = arith.constant 0 : i32
      %dma_wait3A_170 = arith.constant 0 : i32
      %dma_wait3A_171 = tpu.memref_slice %arg7[%dma_wait3A_169, %dma_wait3A_170] : memref<10112x128xf32, #tpu.memory_space<vmem_shared>> -> memref<10112x128xf32, #tpu.memory_space<vmem_shared>>
      tpu.wait_indirect_dma semaphore(%arg18 : memref<!tpu.dma_semaphore, #tpu.memory_space<semaphore_mem>>) src(%arg12 : memref<128x128xf32, #tpu.memory_space<vmem>>) dst(%dma_wait3A_171 : memref<10112x128xf32, #tpu.memory_space<vmem_shared>>)
      %add3A_172 = arith.constant 2 : i32
      %add3A_173 = arith.addi %mul3A_106, %add3A_172 : i32
      %dma_start3A_174 = arith.constant 0 : i32
      %dma_start3A_175 = tpu.memref_slice %arg4[%add3A, %add3A_173, %dma_start3A_174] : memref<32x80x128xi32, #tpu.memory_space<hbm>> -> memref<1x1x128xi32, #tpu.memory_space<hbm>>
      %dma_start3A_176 = tpu.memref_squeeze %dma_start3A_175 : memref<1x1x128xi32, #tpu.memory_space<hbm>> -> memref<128xi32, #tpu.memory_space<hbm>>
      %dma_start3A_177 = arith.constant 0 : i32
      %dma_start3A_178 = tpu.memref_slice %arg4[%add3A, %add3A_173, %dma_start3A_177] : memref<32x80x128xi32, #tpu.memory_space<hbm>> -> memref<1x1x128xi32, #tpu.memory_space<hbm>>
      %dma_start3A_179 = tpu.memref_squeeze %dma_start3A_178 : memref<1x1x128xi32, #tpu.memory_space<hbm>> -> memref<128xi32, #tpu.memory_space<hbm>>
      tpu.enqueue_dma source(%dma_start3A_179 : memref<128xi32, #tpu.memory_space<hbm>>) target(%arg10 : memref<128xi32, #tpu.memory_space<vmem>>) target_semaphore(%arg14 : memref<!tpu.dma_semaphore, #tpu.memory_space<semaphore_mem>>)
      %dma_wait3A_180 = arith.constant 0 : i32
      %dma_wait3A_181 = arith.constant 0 : i32
      %dma_wait3A_182 = tpu.memref_slice %arg7[%dma_wait3A_180, %dma_wait3A_181] : memref<10112x128xf32, #tpu.memory_space<vmem_shared>> -> memref<10112x128xf32, #tpu.memory_space<vmem_shared>>
      tpu.wait_indirect_dma semaphore(%arg19 : memref<!tpu.dma_semaphore, #tpu.memory_space<semaphore_mem>>) src(%arg13 : memref<128x128xf32, #tpu.memory_space<vmem>>) dst(%dma_wait3A_182 : memref<10112x128xf32, #tpu.memory_space<vmem_shared>>)
      %add3A_183 = arith.constant 2 : i32
      %add3A_184 = arith.addi %add3A_110, %add3A_183 : i32
      %dma_start3A_185 = arith.constant 0 : i32
      %dma_start3A_186 = tpu.memref_slice %arg4[%add3A, %add3A_184, %dma_start3A_185] : memref<32x80x128xi32, #tpu.memory_space<hbm>> -> memref<1x1x128xi32, #tpu.memory_space<hbm>>
      %dma_start3A_187 = tpu.memref_squeeze %dma_start3A_186 : memref<1x1x128xi32, #tpu.memory_space<hbm>> -> memref<128xi32, #tpu.memory_space<hbm>>
      %dma_start3A_188 = arith.constant 0 : i32
      %dma_start3A_189 = tpu.memref_slice %arg4[%add3A, %add3A_184, %dma_start3A_188] : memref<32x80x128xi32, #tpu.memory_space<hbm>> -> memref<1x1x128xi32, #tpu.memory_space<hbm>>
      %dma_start3A_190 = tpu.memref_squeeze %dma_start3A_189 : memref<1x1x128xi32, #tpu.memory_space<hbm>> -> memref<128xi32, #tpu.memory_space<hbm>>
      tpu.enqueue_dma source(%dma_start3A_190 : memref<128xi32, #tpu.memory_space<hbm>>) target(%arg11 : memref<128xi32, #tpu.memory_space<vmem>>) target_semaphore(%arg15 : memref<!tpu.dma_semaphore, #tpu.memory_space<semaphore_mem>>)
    }
    %scan3A_34 = arith.constant 39 : i32
    %dma_wait3A_35 = arith.constant 78 : i32
    %dma_wait3A_36 = arith.constant 0 : i32
    %dma_wait3A_37 = tpu.memref_slice %arg4[%add3A, %dma_wait3A_35, %dma_wait3A_36] : memref<32x80x128xi32, #tpu.memory_space<hbm>> -> memref<1x1x128xi32, #tpu.memory_space<hbm>>
    %dma_wait3A_38 = tpu.memref_squeeze %dma_wait3A_37 : memref<1x1x128xi32, #tpu.memory_space<hbm>> -> memref<128xi32, #tpu.memory_space<hbm>>
    %dma_wait3A_39 = arith.constant 0 : i32
    %dma_wait3A_40 = tpu.memref_slice %arg4[%add3A, %dma_wait3A_35, %dma_wait3A_39] : memref<32x80x128xi32, #tpu.memory_space<hbm>> -> memref<1x1x128xi32, #tpu.memory_space<hbm>>
    %dma_wait3A_41 = tpu.memref_squeeze %dma_wait3A_40 : memref<1x1x128xi32, #tpu.memory_space<hbm>> -> memref<128xi32, #tpu.memory_space<hbm>>
    tpu.wait_dma2 semaphore(%arg14 : memref<!tpu.dma_semaphore, #tpu.memory_space<semaphore_mem>>) src(%dma_wait3A_41 : memref<128xi32, #tpu.memory_space<hbm>>) dst(%arg10 : memref<128xi32, #tpu.memory_space<vmem>>)
    %dma_wait3A_42 = arith.constant 9984 : i32
    %dma_wait3A_43 = tpu.memref_slice %arg3[%add3A, %dma_wait3A_42] : memref<32x10240xi32, #tpu.memory_space<hbm>> -> memref<1x128xi32, #tpu.memory_space<hbm>>
    %dma_wait3A_44 = tpu.memref_squeeze %dma_wait3A_43 : memref<1x128xi32, #tpu.memory_space<hbm>> -> memref<128xi32, #tpu.memory_space<hbm>>
    %dma_wait3A_45 = arith.constant 9984 : i32
    %dma_wait3A_46 = tpu.memref_slice %arg3[%add3A, %dma_wait3A_45] : memref<32x10240xi32, #tpu.memory_space<hbm>> -> memref<1x128xi32, #tpu.memory_space<hbm>>
    %dma_wait3A_47 = tpu.memref_squeeze %dma_wait3A_46 : memref<1x128xi32, #tpu.memory_space<hbm>> -> memref<128xi32, #tpu.memory_space<hbm>>
    tpu.wait_dma2 semaphore(%arg14 : memref<!tpu.dma_semaphore, #tpu.memory_space<semaphore_mem>>) src(%dma_wait3A_47 : memref<128xi32, #tpu.memory_space<hbm>>) dst(%arg8 : memref<128xi32, #tpu.memory_space<vmem>>)
    %dma_start3A_48 = arith.constant 0 : i32
    %dma_start3A_49 = arith.constant 0 : i32
    %dma_start3A_50 = tpu.memref_slice %arg2[%dma_start3A_48, %dma_start3A_49] : memref<160000x128xf32, #tpu.memory_space<hbm>> -> memref<160000x128xf32, #tpu.memory_space<hbm>>
    tpu.enqueue_indirect_dma source(%dma_start3A_50 : memref<160000x128xf32, #tpu.memory_space<hbm>>) target(%arg12 : memref<128x128xf32, #tpu.memory_space<vmem>>) offsets(%arg8 : memref<128xi32, #tpu.memory_space<vmem>>) semaphore(%arg16 : memref<!tpu.dma_semaphore, #tpu.memory_space<semaphore_mem>>)
    %dma_wait3A_51 = arith.constant 79 : i32
    %dma_wait3A_52 = arith.constant 0 : i32
    %dma_wait3A_53 = tpu.memref_slice %arg4[%add3A, %dma_wait3A_51, %dma_wait3A_52] : memref<32x80x128xi32, #tpu.memory_space<hbm>> -> memref<1x1x128xi32, #tpu.memory_space<hbm>>
    %dma_wait3A_54 = tpu.memref_squeeze %dma_wait3A_53 : memref<1x1x128xi32, #tpu.memory_space<hbm>> -> memref<128xi32, #tpu.memory_space<hbm>>
    %dma_wait3A_55 = arith.constant 0 : i32
    %dma_wait3A_56 = tpu.memref_slice %arg4[%add3A, %dma_wait3A_51, %dma_wait3A_55] : memref<32x80x128xi32, #tpu.memory_space<hbm>> -> memref<1x1x128xi32, #tpu.memory_space<hbm>>
    %dma_wait3A_57 = tpu.memref_squeeze %dma_wait3A_56 : memref<1x1x128xi32, #tpu.memory_space<hbm>> -> memref<128xi32, #tpu.memory_space<hbm>>
    tpu.wait_dma2 semaphore(%arg15 : memref<!tpu.dma_semaphore, #tpu.memory_space<semaphore_mem>>) src(%dma_wait3A_57 : memref<128xi32, #tpu.memory_space<hbm>>) dst(%arg11 : memref<128xi32, #tpu.memory_space<vmem>>)
    %dma_wait3A_58 = arith.constant 10112 : i32
    %dma_wait3A_59 = tpu.memref_slice %arg3[%add3A, %dma_wait3A_58] : memref<32x10240xi32, #tpu.memory_space<hbm>> -> memref<1x128xi32, #tpu.memory_space<hbm>>
    %dma_wait3A_60 = tpu.memref_squeeze %dma_wait3A_59 : memref<1x128xi32, #tpu.memory_space<hbm>> -> memref<128xi32, #tpu.memory_space<hbm>>
    %dma_wait3A_61 = arith.constant 10112 : i32
    %dma_wait3A_62 = tpu.memref_slice %arg3[%add3A, %dma_wait3A_61] : memref<32x10240xi32, #tpu.memory_space<hbm>> -> memref<1x128xi32, #tpu.memory_space<hbm>>
    %dma_wait3A_63 = tpu.memref_squeeze %dma_wait3A_62 : memref<1x128xi32, #tpu.memory_space<hbm>> -> memref<128xi32, #tpu.memory_space<hbm>>
    tpu.wait_dma2 semaphore(%arg15 : memref<!tpu.dma_semaphore, #tpu.memory_space<semaphore_mem>>) src(%dma_wait3A_63 : memref<128xi32, #tpu.memory_space<hbm>>) dst(%arg9 : memref<128xi32, #tpu.memory_space<vmem>>)
    %dma_start3A_64 = arith.constant 0 : i32
    %dma_start3A_65 = arith.constant 0 : i32
    %dma_start3A_66 = tpu.memref_slice %arg2[%dma_start3A_64, %dma_start3A_65] : memref<160000x128xf32, #tpu.memory_space<hbm>> -> memref<160000x128xf32, #tpu.memory_space<hbm>>
    tpu.enqueue_indirect_dma source(%dma_start3A_66 : memref<160000x128xf32, #tpu.memory_space<hbm>>) target(%arg13 : memref<128x128xf32, #tpu.memory_space<vmem>>) offsets(%arg9 : memref<128xi32, #tpu.memory_space<vmem>>) semaphore(%arg17 : memref<!tpu.dma_semaphore, #tpu.memory_space<semaphore_mem>>)
    %dma_wait3A_67 = arith.constant 0 : i32
    %dma_wait3A_68 = arith.constant 0 : i32
    %dma_wait3A_69 = tpu.memref_slice %arg2[%dma_wait3A_67, %dma_wait3A_68] : memref<160000x128xf32, #tpu.memory_space<hbm>> -> memref<160000x128xf32, #tpu.memory_space<hbm>>
    tpu.wait_indirect_dma semaphore(%arg16 : memref<!tpu.dma_semaphore, #tpu.memory_space<semaphore_mem>>) src(%dma_wait3A_69 : memref<160000x128xf32, #tpu.memory_space<hbm>>) dst(%arg12 : memref<128x128xf32, #tpu.memory_space<vmem>>)
    %dma_start3A_70 = arith.constant 0 : i32
    %dma_start3A_71 = arith.constant 0 : i32
    %dma_start3A_72 = tpu.memref_slice %arg7[%dma_start3A_70, %dma_start3A_71] : memref<10112x128xf32, #tpu.memory_space<vmem_shared>> -> memref<10112x128xf32, #tpu.memory_space<vmem_shared>>
    tpu.enqueue_indirect_dma source(%arg12 : memref<128x128xf32, #tpu.memory_space<vmem>>) target(%dma_start3A_72 : memref<10112x128xf32, #tpu.memory_space<vmem_shared>>) offsets(%arg10 : memref<128xi32, #tpu.memory_space<vmem>>) semaphore(%arg18 : memref<!tpu.dma_semaphore, #tpu.memory_space<semaphore_mem>>) {add = true}
    %dma_wait3A_73 = arith.constant 0 : i32
    %dma_wait3A_74 = arith.constant 0 : i32
    %dma_wait3A_75 = tpu.memref_slice %arg2[%dma_wait3A_73, %dma_wait3A_74] : memref<160000x128xf32, #tpu.memory_space<hbm>> -> memref<160000x128xf32, #tpu.memory_space<hbm>>
    tpu.wait_indirect_dma semaphore(%arg17 : memref<!tpu.dma_semaphore, #tpu.memory_space<semaphore_mem>>) src(%dma_wait3A_75 : memref<160000x128xf32, #tpu.memory_space<hbm>>) dst(%arg13 : memref<128x128xf32, #tpu.memory_space<vmem>>)
    %dma_start3A_76 = arith.constant 0 : i32
    %dma_start3A_77 = arith.constant 0 : i32
    %dma_start3A_78 = tpu.memref_slice %arg7[%dma_start3A_76, %dma_start3A_77] : memref<10112x128xf32, #tpu.memory_space<vmem_shared>> -> memref<10112x128xf32, #tpu.memory_space<vmem_shared>>
    tpu.enqueue_indirect_dma source(%arg13 : memref<128x128xf32, #tpu.memory_space<vmem>>) target(%dma_start3A_78 : memref<10112x128xf32, #tpu.memory_space<vmem_shared>>) offsets(%arg11 : memref<128xi32, #tpu.memory_space<vmem>>) semaphore(%arg19 : memref<!tpu.dma_semaphore, #tpu.memory_space<semaphore_mem>>) {add = true}
    %dma_wait3A_79 = arith.constant 0 : i32
    %dma_wait3A_80 = arith.constant 0 : i32
    %dma_wait3A_81 = tpu.memref_slice %arg7[%dma_wait3A_79, %dma_wait3A_80] : memref<10112x128xf32, #tpu.memory_space<vmem_shared>> -> memref<10112x128xf32, #tpu.memory_space<vmem_shared>>
    tpu.wait_indirect_dma semaphore(%arg18 : memref<!tpu.dma_semaphore, #tpu.memory_space<semaphore_mem>>) src(%arg12 : memref<128x128xf32, #tpu.memory_space<vmem>>) dst(%dma_wait3A_81 : memref<10112x128xf32, #tpu.memory_space<vmem_shared>>)
    %dma_wait3A_82 = arith.constant 0 : i32
    %dma_wait3A_83 = arith.constant 0 : i32
    %dma_wait3A_84 = tpu.memref_slice %arg7[%dma_wait3A_82, %dma_wait3A_83] : memref<10112x128xf32, #tpu.memory_space<vmem_shared>> -> memref<10112x128xf32, #tpu.memory_space<vmem_shared>>
    tpu.wait_indirect_dma semaphore(%arg19 : memref<!tpu.dma_semaphore, #tpu.memory_space<semaphore_mem>>) src(%arg13 : memref<128x128xf32, #tpu.memory_space<vmem>>) dst(%dma_wait3A_84 : memref<10112x128xf32, #tpu.memory_space<vmem_shared>>)
    %barrier3A_85 = arith.constant 0 : index
    tpu.barrier barrier_id(%barrier3A_85)
    %mul3A_86 = arith.constant 632 : i32
    %mul3A_87 = arith.muli %arg1, %mul3A_86 : i32
    %mul3A_88 = arith.constant 632 : i32
    %mul3A_89 = arith.muli %arg1, %mul3A_88 : i32
    %dma_start3A_90 = arith.constant 0 : i32
    %dma_start3A_91 = tpu.memref_slice %arg6[%arg0, %mul3A_89, %dma_start3A_90] : memref<2x10112x128xf32, #tpu.memory_space<hbm>> -> memref<1x632x128xf32, #tpu.memory_space<hbm>>
    %dma_start3A_92 = tpu.memref_squeeze %dma_start3A_91 : memref<1x632x128xf32, #tpu.memory_space<hbm>> -> memref<632x128xf32, #tpu.memory_space<hbm>>
    %dma_start3A_93 = arith.constant 0 : i32
    %dma_start3A_94 = tpu.memref_slice %arg7[%mul3A_87, %dma_start3A_93] : memref<10112x128xf32, #tpu.memory_space<vmem_shared>> -> memref<632x128xf32, #tpu.memory_space<vmem_shared>>
    tpu.enqueue_dma source(%dma_start3A_94 : memref<632x128xf32, #tpu.memory_space<vmem_shared>>) target(%dma_start3A_92 : memref<632x128xf32, #tpu.memory_space<hbm>>) target_semaphore(%arg16 : memref<!tpu.dma_semaphore, #tpu.memory_space<semaphore_mem>>)
    %dma_wait3A_95 = arith.constant 0 : i32
    %dma_wait3A_96 = tpu.memref_slice %arg6[%arg0, %mul3A_89, %dma_wait3A_95] : memref<2x10112x128xf32, #tpu.memory_space<hbm>> -> memref<1x632x128xf32, #tpu.memory_space<hbm>>
    %dma_wait3A_97 = tpu.memref_squeeze %dma_wait3A_96 : memref<1x632x128xf32, #tpu.memory_space<hbm>> -> memref<632x128xf32, #tpu.memory_space<hbm>>
    %dma_wait3A_98 = arith.constant 0 : i32
    %dma_wait3A_99 = tpu.memref_slice %arg7[%mul3A_87, %dma_wait3A_98] : memref<10112x128xf32, #tpu.memory_space<vmem_shared>> -> memref<632x128xf32, #tpu.memory_space<vmem_shared>>
    tpu.wait_dma2 semaphore(%arg16 : memref<!tpu.dma_semaphore, #tpu.memory_space<semaphore_mem>>) src(%dma_wait3A_99 : memref<632x128xf32, #tpu.memory_space<vmem_shared>>) dst(%dma_wait3A_97 : memref<632x128xf32, #tpu.memory_space<hbm>>)
    return
  }
}

#map = affine_map<(d0, d1) -> (0, 0)>
#map1 = affine_map<(d0, d1) -> (0, 0, 0)>
module attributes {stable_mosaic.version = 14 : i64} {
  func.func @k(%arg0: i32, %arg1: i32, %arg2: memref<128x128xf32, #tpu.memory_space<hbm>>, %arg3: memref<32x10240xi32, #tpu.memory_space<hbm>>, %arg4: memref<32x80x128xi32, #tpu.memory_space<hbm>>, %arg5: memref<632x128xf32, #tpu.memory_space<hbm>>, %arg6: memref<2x10112x128xf32, #tpu.memory_space<hbm>>, %arg7: memref<10112x128xf32, #tpu.memory_space<vmem_shared>>, %arg8: memref<128xi32, #tpu.memory_space<vmem>>, %arg9: memref<128xi32, #tpu.memory_space<vmem>>, %arg10: memref<128xi32, #tpu.memory_space<vmem>>, %arg11: memref<128xi32, #tpu.memory_space<vmem>>, %arg12: memref<128x128xf32, #tpu.memory_space<vmem>>, %arg13: memref<128x128xf32, #tpu.memory_space<vmem>>, %arg14: memref<!tpu.dma_semaphore, #tpu.memory_space<semaphore_mem>>, %arg15: memref<!tpu.dma_semaphore, #tpu.memory_space<semaphore_mem>>, %arg16: memref<!tpu.dma_semaphore, #tpu.memory_space<semaphore_mem>>, %arg17: memref<!tpu.dma_semaphore, #tpu.memory_space<semaphore_mem>>, %arg18: memref<!tpu.dma_semaphore, #tpu.memory_space<semaphore_mem>>, %arg19: memref<!tpu.dma_semaphore, #tpu.memory_space<semaphore_mem>>) attributes {dimension_semantics = [#tpu.dimension_semantics<core_parallel>, #tpu.dimension_semantics<subcore_parallel>], iteration_bounds = array<i64: 2, 16>, scalar_prefetch = 0 : i64, scratch_operands = 13 : i64, tpu.core_type = #tpu.core_type<sc_vector_subcore>, window_params = [{transform_indices = #map}, {transform_indices = #map}, {transform_indices = #map1}, {transform_indices = #map}, {transform_indices = #map1}]} {
    %mul3A = arith.constant 16 : i32
    %mul3A_0 = arith.muli %arg0, %mul3A : i32
    %add3A = arith.addi %mul3A_0, %arg1 : i32
    %mul3A_1 = arith.constant 632 : i32
    %mul3A_2 = arith.muli %arg1, %mul3A_1 : i32
    %dma_start3A = arith.constant 0 : i32
    %dma_start3A_3 = tpu.memref_slice %arg7[%mul3A_2, %dma_start3A] : memref<10112x128xf32, #tpu.memory_space<vmem_shared>> -> memref<632x128xf32, #tpu.memory_space<vmem_shared>>
    tpu.enqueue_dma source(%arg5 : memref<632x128xf32, #tpu.memory_space<hbm>>) target(%dma_start3A_3 : memref<632x128xf32, #tpu.memory_space<vmem_shared>>) target_semaphore(%arg16 : memref<!tpu.dma_semaphore, #tpu.memory_space<semaphore_mem>>)
    %dma_wait3A = arith.constant 0 : i32
    %dma_wait3A_4 = tpu.memref_slice %arg7[%mul3A_2, %dma_wait3A] : memref<10112x128xf32, #tpu.memory_space<vmem_shared>> -> memref<632x128xf32, #tpu.memory_space<vmem_shared>>
    tpu.wait_dma2 semaphore(%arg16 : memref<!tpu.dma_semaphore, #tpu.memory_space<semaphore_mem>>) src(%arg5 : memref<632x128xf32, #tpu.memory_space<hbm>>) dst(%dma_wait3A_4 : memref<632x128xf32, #tpu.memory_space<vmem_shared>>)
    tpu.enqueue_dma source(%arg2 : memref<128x128xf32, #tpu.memory_space<hbm>>) target(%arg12 : memref<128x128xf32, #tpu.memory_space<vmem>>) target_semaphore(%arg16 : memref<!tpu.dma_semaphore, #tpu.memory_space<semaphore_mem>>)
    tpu.wait_dma2 semaphore(%arg16 : memref<!tpu.dma_semaphore, #tpu.memory_space<semaphore_mem>>) src(%arg2 : memref<128x128xf32, #tpu.memory_space<hbm>>) dst(%arg12 : memref<128x128xf32, #tpu.memory_space<vmem>>)
    tpu.enqueue_dma source(%arg2 : memref<128x128xf32, #tpu.memory_space<hbm>>) target(%arg13 : memref<128x128xf32, #tpu.memory_space<vmem>>) target_semaphore(%arg17 : memref<!tpu.dma_semaphore, #tpu.memory_space<semaphore_mem>>)
    tpu.wait_dma2 semaphore(%arg17 : memref<!tpu.dma_semaphore, #tpu.memory_space<semaphore_mem>>) src(%arg2 : memref<128x128xf32, #tpu.memory_space<hbm>>) dst(%arg13 : memref<128x128xf32, #tpu.memory_space<vmem>>)
    %barrier3A = arith.constant 0 : index
    tpu.barrier barrier_id(%barrier3A)
    %dma_start3A_5 = arith.constant 0 : i32
    %dma_start3A_6 = arith.constant 0 : i32
    %dma_start3A_7 = tpu.memref_slice %arg4[%add3A, %dma_start3A_5, %dma_start3A_6] : memref<32x80x128xi32, #tpu.memory_space<hbm>> -> memref<1x1x128xi32, #tpu.memory_space<hbm>>
    %dma_start3A_8 = tpu.memref_squeeze %dma_start3A_7 : memref<1x1x128xi32, #tpu.memory_space<hbm>> -> memref<128xi32, #tpu.memory_space<hbm>>
    %dma_start3A_9 = arith.constant 0 : i32
    %dma_start3A_10 = tpu.memref_slice %arg4[%add3A, %dma_start3A_5, %dma_start3A_9] : memref<32x80x128xi32, #tpu.memory_space<hbm>> -> memref<1x1x128xi32, #tpu.memory_space<hbm>>
    %dma_start3A_11 = tpu.memref_squeeze %dma_start3A_10 : memref<1x1x128xi32, #tpu.memory_space<hbm>> -> memref<128xi32, #tpu.memory_space<hbm>>
    tpu.enqueue_dma source(%dma_start3A_11 : memref<128xi32, #tpu.memory_space<hbm>>) target(%arg10 : memref<128xi32, #tpu.memory_space<vmem>>) target_semaphore(%arg14 : memref<!tpu.dma_semaphore, #tpu.memory_space<semaphore_mem>>)
    %dma_start3A_12 = arith.constant 1 : i32
    %dma_start3A_13 = arith.constant 0 : i32
    %dma_start3A_14 = tpu.memref_slice %arg4[%add3A, %dma_start3A_12, %dma_start3A_13] : memref<32x80x128xi32, #tpu.memory_space<hbm>> -> memref<1x1x128xi32, #tpu.memory_space<hbm>>
    %dma_start3A_15 = tpu.memref_squeeze %dma_start3A_14 : memref<1x1x128xi32, #tpu.memory_space<hbm>> -> memref<128xi32, #tpu.memory_space<hbm>>
    %dma_start3A_16 = arith.constant 0 : i32
    %dma_start3A_17 = tpu.memref_slice %arg4[%add3A, %dma_start3A_12, %dma_start3A_16] : memref<32x80x128xi32, #tpu.memory_space<hbm>> -> memref<1x1x128xi32, #tpu.memory_space<hbm>>
    %dma_start3A_18 = tpu.memref_squeeze %dma_start3A_17 : memref<1x1x128xi32, #tpu.memory_space<hbm>> -> memref<128xi32, #tpu.memory_space<hbm>>
    tpu.enqueue_dma source(%dma_start3A_18 : memref<128xi32, #tpu.memory_space<hbm>>) target(%arg11 : memref<128xi32, #tpu.memory_space<vmem>>) target_semaphore(%arg15 : memref<!tpu.dma_semaphore, #tpu.memory_space<semaphore_mem>>)
    %scan3A = arith.constant 0 : i32
    %scan3A_19 = arith.constant 39 : i32
    %scan3A_20 = arith.addi %scan3A, %scan3A_19 : i32
    %scan3A_21 = arith.constant 1 : i32
    scf.for %scan3A_64 = %scan3A to %scan3A_20 step %scan3A_21  : i32 {
      %mul3A_65 = arith.constant 1 : i32
      %mul3A_66 = arith.muli %scan3A_64, %mul3A_65 : i32
      %add3A_67 = arith.constant 0 : i32
      %add3A_68 = arith.addi %add3A_67, %mul3A_66 : i32
      %mul3A_69 = arith.constant 2 : i32
      %mul3A_70 = arith.muli %add3A_68, %mul3A_69 : i32
      %mul3A_71 = arith.constant 2 : i32
      %mul3A_72 = arith.muli %add3A_68, %mul3A_71 : i32
      %add3A_73 = arith.constant 1 : i32
      %add3A_74 = arith.addi %mul3A_72, %add3A_73 : i32
      %dma_wait3A_75 = arith.constant 0 : i32
      %dma_wait3A_76 = tpu.memref_slice %arg4[%add3A, %mul3A_70, %dma_wait3A_75] : memref<32x80x128xi32, #tpu.memory_space<hbm>> -> memref<1x1x128xi32, #tpu.memory_space<hbm>>
      %dma_wait3A_77 = tpu.memref_squeeze %dma_wait3A_76 : memref<1x1x128xi32, #tpu.memory_space<hbm>> -> memref<128xi32, #tpu.memory_space<hbm>>
      %dma_wait3A_78 = arith.constant 0 : i32
      %dma_wait3A_79 = tpu.memref_slice %arg4[%add3A, %mul3A_70, %dma_wait3A_78] : memref<32x80x128xi32, #tpu.memory_space<hbm>> -> memref<1x1x128xi32, #tpu.memory_space<hbm>>
      %dma_wait3A_80 = tpu.memref_squeeze %dma_wait3A_79 : memref<1x1x128xi32, #tpu.memory_space<hbm>> -> memref<128xi32, #tpu.memory_space<hbm>>
      tpu.wait_dma2 semaphore(%arg14 : memref<!tpu.dma_semaphore, #tpu.memory_space<semaphore_mem>>) src(%dma_wait3A_80 : memref<128xi32, #tpu.memory_space<hbm>>) dst(%arg10 : memref<128xi32, #tpu.memory_space<vmem>>)
      %dma_wait3A_81 = arith.constant 0 : i32
      %dma_wait3A_82 = tpu.memref_slice %arg4[%add3A, %add3A_74, %dma_wait3A_81] : memref<32x80x128xi32, #tpu.memory_space<hbm>> -> memref<1x1x128xi32, #tpu.memory_space<hbm>>
      %dma_wait3A_83 = tpu.memref_squeeze %dma_wait3A_82 : memref<1x1x128xi32, #tpu.memory_space<hbm>> -> memref<128xi32, #tpu.memory_space<hbm>>
      %dma_wait3A_84 = arith.constant 0 : i32
      %dma_wait3A_85 = tpu.memref_slice %arg4[%add3A, %add3A_74, %dma_wait3A_84] : memref<32x80x128xi32, #tpu.memory_space<hbm>> -> memref<1x1x128xi32, #tpu.memory_space<hbm>>
      %dma_wait3A_86 = tpu.memref_squeeze %dma_wait3A_85 : memref<1x1x128xi32, #tpu.memory_space<hbm>> -> memref<128xi32, #tpu.memory_space<hbm>>
      tpu.wait_dma2 semaphore(%arg15 : memref<!tpu.dma_semaphore, #tpu.memory_space<semaphore_mem>>) src(%dma_wait3A_86 : memref<128xi32, #tpu.memory_space<hbm>>) dst(%arg11 : memref<128xi32, #tpu.memory_space<vmem>>)
      %dma_start3A_87 = arith.constant 0 : i32
      %dma_start3A_88 = arith.constant 0 : i32
      %dma_start3A_89 = tpu.memref_slice %arg7[%dma_start3A_87, %dma_start3A_88] : memref<10112x128xf32, #tpu.memory_space<vmem_shared>> -> memref<10112x128xf32, #tpu.memory_space<vmem_shared>>
      tpu.enqueue_indirect_dma source(%arg12 : memref<128x128xf32, #tpu.memory_space<vmem>>) target(%dma_start3A_89 : memref<10112x128xf32, #tpu.memory_space<vmem_shared>>) offsets(%arg10 : memref<128xi32, #tpu.memory_space<vmem>>) semaphore(%arg18 : memref<!tpu.dma_semaphore, #tpu.memory_space<semaphore_mem>>) {add = true}
      %dma_start3A_90 = arith.constant 0 : i32
      %dma_start3A_91 = arith.constant 0 : i32
      %dma_start3A_92 = tpu.memref_slice %arg7[%dma_start3A_90, %dma_start3A_91] : memref<10112x128xf32, #tpu.memory_space<vmem_shared>> -> memref<10112x128xf32, #tpu.memory_space<vmem_shared>>
      tpu.enqueue_indirect_dma source(%arg13 : memref<128x128xf32, #tpu.memory_space<vmem>>) target(%dma_start3A_92 : memref<10112x128xf32, #tpu.memory_space<vmem_shared>>) offsets(%arg11 : memref<128xi32, #tpu.memory_space<vmem>>) semaphore(%arg19 : memref<!tpu.dma_semaphore, #tpu.memory_space<semaphore_mem>>) {add = true}
      %dma_wait3A_93 = arith.constant 0 : i32
      %dma_wait3A_94 = arith.constant 0 : i32
      %dma_wait3A_95 = tpu.memref_slice %arg7[%dma_wait3A_93, %dma_wait3A_94] : memref<10112x128xf32, #tpu.memory_space<vmem_shared>> -> memref<10112x128xf32, #tpu.memory_space<vmem_shared>>
      tpu.wait_indirect_dma semaphore(%arg18 : memref<!tpu.dma_semaphore, #tpu.memory_space<semaphore_mem>>) src(%arg12 : memref<128x128xf32, #tpu.memory_space<vmem>>) dst(%dma_wait3A_95 : memref<10112x128xf32, #tpu.memory_space<vmem_shared>>)
      %add3A_96 = arith.constant 2 : i32
      %add3A_97 = arith.addi %mul3A_70, %add3A_96 : i32
      %dma_start3A_98 = arith.constant 0 : i32
      %dma_start3A_99 = tpu.memref_slice %arg4[%add3A, %add3A_97, %dma_start3A_98] : memref<32x80x128xi32, #tpu.memory_space<hbm>> -> memref<1x1x128xi32, #tpu.memory_space<hbm>>
      %dma_start3A_100 = tpu.memref_squeeze %dma_start3A_99 : memref<1x1x128xi32, #tpu.memory_space<hbm>> -> memref<128xi32, #tpu.memory_space<hbm>>
      %dma_start3A_101 = arith.constant 0 : i32
      %dma_start3A_102 = tpu.memref_slice %arg4[%add3A, %add3A_97, %dma_start3A_101] : memref<32x80x128xi32, #tpu.memory_space<hbm>> -> memref<1x1x128xi32, #tpu.memory_space<hbm>>
      %dma_start3A_103 = tpu.memref_squeeze %dma_start3A_102 : memref<1x1x128xi32, #tpu.memory_space<hbm>> -> memref<128xi32, #tpu.memory_space<hbm>>
      tpu.enqueue_dma source(%dma_start3A_103 : memref<128xi32, #tpu.memory_space<hbm>>) target(%arg10 : memref<128xi32, #tpu.memory_space<vmem>>) target_semaphore(%arg14 : memref<!tpu.dma_semaphore, #tpu.memory_space<semaphore_mem>>)
      %dma_wait3A_104 = arith.constant 0 : i32
      %dma_wait3A_105 = arith.constant 0 : i32
      %dma_wait3A_106 = tpu.memref_slice %arg7[%dma_wait3A_104, %dma_wait3A_105] : memref<10112x128xf32, #tpu.memory_space<vmem_shared>> -> memref<10112x128xf32, #tpu.memory_space<vmem_shared>>
      tpu.wait_indirect_dma semaphore(%arg19 : memref<!tpu.dma_semaphore, #tpu.memory_space<semaphore_mem>>) src(%arg13 : memref<128x128xf32, #tpu.memory_space<vmem>>) dst(%dma_wait3A_106 : memref<10112x128xf32, #tpu.memory_space<vmem_shared>>)
      %add3A_107 = arith.constant 2 : i32
      %add3A_108 = arith.addi %add3A_74, %add3A_107 : i32
      %dma_start3A_109 = arith.constant 0 : i32
      %dma_start3A_110 = tpu.memref_slice %arg4[%add3A, %add3A_108, %dma_start3A_109] : memref<32x80x128xi32, #tpu.memory_space<hbm>> -> memref<1x1x128xi32, #tpu.memory_space<hbm>>
      %dma_start3A_111 = tpu.memref_squeeze %dma_start3A_110 : memref<1x1x128xi32, #tpu.memory_space<hbm>> -> memref<128xi32, #tpu.memory_space<hbm>>
      %dma_start3A_112 = arith.constant 0 : i32
      %dma_start3A_113 = tpu.memref_slice %arg4[%add3A, %add3A_108, %dma_start3A_112] : memref<32x80x128xi32, #tpu.memory_space<hbm>> -> memref<1x1x128xi32, #tpu.memory_space<hbm>>
      %dma_start3A_114 = tpu.memref_squeeze %dma_start3A_113 : memref<1x1x128xi32, #tpu.memory_space<hbm>> -> memref<128xi32, #tpu.memory_space<hbm>>
      tpu.enqueue_dma source(%dma_start3A_114 : memref<128xi32, #tpu.memory_space<hbm>>) target(%arg11 : memref<128xi32, #tpu.memory_space<vmem>>) target_semaphore(%arg15 : memref<!tpu.dma_semaphore, #tpu.memory_space<semaphore_mem>>)
    }
    %scan3A_22 = arith.constant 39 : i32
    %dma_wait3A_23 = arith.constant 78 : i32
    %dma_wait3A_24 = arith.constant 0 : i32
    %dma_wait3A_25 = tpu.memref_slice %arg4[%add3A, %dma_wait3A_23, %dma_wait3A_24] : memref<32x80x128xi32, #tpu.memory_space<hbm>> -> memref<1x1x128xi32, #tpu.memory_space<hbm>>
    %dma_wait3A_26 = tpu.memref_squeeze %dma_wait3A_25 : memref<1x1x128xi32, #tpu.memory_space<hbm>> -> memref<128xi32, #tpu.memory_space<hbm>>
    %dma_wait3A_27 = arith.constant 0 : i32
    %dma_wait3A_28 = tpu.memref_slice %arg4[%add3A, %dma_wait3A_23, %dma_wait3A_27] : memref<32x80x128xi32, #tpu.memory_space<hbm>> -> memref<1x1x128xi32, #tpu.memory_space<hbm>>
    %dma_wait3A_29 = tpu.memref_squeeze %dma_wait3A_28 : memref<1x1x128xi32, #tpu.memory_space<hbm>> -> memref<128xi32, #tpu.memory_space<hbm>>
    tpu.wait_dma2 semaphore(%arg14 : memref<!tpu.dma_semaphore, #tpu.memory_space<semaphore_mem>>) src(%dma_wait3A_29 : memref<128xi32, #tpu.memory_space<hbm>>) dst(%arg10 : memref<128xi32, #tpu.memory_space<vmem>>)
    %dma_wait3A_30 = arith.constant 79 : i32
    %dma_wait3A_31 = arith.constant 0 : i32
    %dma_wait3A_32 = tpu.memref_slice %arg4[%add3A, %dma_wait3A_30, %dma_wait3A_31] : memref<32x80x128xi32, #tpu.memory_space<hbm>> -> memref<1x1x128xi32, #tpu.memory_space<hbm>>
    %dma_wait3A_33 = tpu.memref_squeeze %dma_wait3A_32 : memref<1x1x128xi32, #tpu.memory_space<hbm>> -> memref<128xi32, #tpu.memory_space<hbm>>
    %dma_wait3A_34 = arith.constant 0 : i32
    %dma_wait3A_35 = tpu.memref_slice %arg4[%add3A, %dma_wait3A_30, %dma_wait3A_34] : memref<32x80x128xi32, #tpu.memory_space<hbm>> -> memref<1x1x128xi32, #tpu.memory_space<hbm>>
    %dma_wait3A_36 = tpu.memref_squeeze %dma_wait3A_35 : memref<1x1x128xi32, #tpu.memory_space<hbm>> -> memref<128xi32, #tpu.memory_space<hbm>>
    tpu.wait_dma2 semaphore(%arg15 : memref<!tpu.dma_semaphore, #tpu.memory_space<semaphore_mem>>) src(%dma_wait3A_36 : memref<128xi32, #tpu.memory_space<hbm>>) dst(%arg11 : memref<128xi32, #tpu.memory_space<vmem>>)
    %dma_start3A_37 = arith.constant 0 : i32
    %dma_start3A_38 = arith.constant 0 : i32
    %dma_start3A_39 = tpu.memref_slice %arg7[%dma_start3A_37, %dma_start3A_38] : memref<10112x128xf32, #tpu.memory_space<vmem_shared>> -> memref<10112x128xf32, #tpu.memory_space<vmem_shared>>
    tpu.enqueue_indirect_dma source(%arg12 : memref<128x128xf32, #tpu.memory_space<vmem>>) target(%dma_start3A_39 : memref<10112x128xf32, #tpu.memory_space<vmem_shared>>) offsets(%arg10 : memref<128xi32, #tpu.memory_space<vmem>>) semaphore(%arg18 : memref<!tpu.dma_semaphore, #tpu.memory_space<semaphore_mem>>) {add = true}
    %dma_start3A_40 = arith.constant 0 : i32
    %dma_start3A_41 = arith.constant 0 : i32
    %dma_start3A_42 = tpu.memref_slice %arg7[%dma_start3A_40, %dma_start3A_41] : memref<10112x128xf32, #tpu.memory_space<vmem_shared>> -> memref<10112x128xf32, #tpu.memory_space<vmem_shared>>
    tpu.enqueue_indirect_dma source(%arg13 : memref<128x128xf32, #tpu.memory_space<vmem>>) target(%dma_start3A_42 : memref<10112x128xf32, #tpu.memory_space<vmem_shared>>) offsets(%arg11 : memref<128xi32, #tpu.memory_space<vmem>>) semaphore(%arg19 : memref<!tpu.dma_semaphore, #tpu.memory_space<semaphore_mem>>) {add = true}
    %dma_wait3A_43 = arith.constant 0 : i32
    %dma_wait3A_44 = arith.constant 0 : i32
    %dma_wait3A_45 = tpu.memref_slice %arg7[%dma_wait3A_43, %dma_wait3A_44] : memref<10112x128xf32, #tpu.memory_space<vmem_shared>> -> memref<10112x128xf32, #tpu.memory_space<vmem_shared>>
    tpu.wait_indirect_dma semaphore(%arg18 : memref<!tpu.dma_semaphore, #tpu.memory_space<semaphore_mem>>) src(%arg12 : memref<128x128xf32, #tpu.memory_space<vmem>>) dst(%dma_wait3A_45 : memref<10112x128xf32, #tpu.memory_space<vmem_shared>>)
    %dma_wait3A_46 = arith.constant 0 : i32
    %dma_wait3A_47 = arith.constant 0 : i32
    %dma_wait3A_48 = tpu.memref_slice %arg7[%dma_wait3A_46, %dma_wait3A_47] : memref<10112x128xf32, #tpu.memory_space<vmem_shared>> -> memref<10112x128xf32, #tpu.memory_space<vmem_shared>>
    tpu.wait_indirect_dma semaphore(%arg19 : memref<!tpu.dma_semaphore, #tpu.memory_space<semaphore_mem>>) src(%arg13 : memref<128x128xf32, #tpu.memory_space<vmem>>) dst(%dma_wait3A_48 : memref<10112x128xf32, #tpu.memory_space<vmem_shared>>)
    %barrier3A_49 = arith.constant 0 : index
    tpu.barrier barrier_id(%barrier3A_49)
    %mul3A_50 = arith.constant 632 : i32
    %mul3A_51 = arith.muli %arg1, %mul3A_50 : i32
    %mul3A_52 = arith.constant 632 : i32
    %mul3A_53 = arith.muli %arg1, %mul3A_52 : i32
    %dma_start3A_54 = arith.constant 0 : i32
    %dma_start3A_55 = tpu.memref_slice %arg6[%arg0, %mul3A_53, %dma_start3A_54] : memref<2x10112x128xf32, #tpu.memory_space<hbm>> -> memref<1x632x128xf32, #tpu.memory_space<hbm>>
    %dma_start3A_56 = tpu.memref_squeeze %dma_start3A_55 : memref<1x632x128xf32, #tpu.memory_space<hbm>> -> memref<632x128xf32, #tpu.memory_space<hbm>>
    %dma_start3A_57 = arith.constant 0 : i32
    %dma_start3A_58 = tpu.memref_slice %arg7[%mul3A_51, %dma_start3A_57] : memref<10112x128xf32, #tpu.memory_space<vmem_shared>> -> memref<632x128xf32, #tpu.memory_space<vmem_shared>>
    tpu.enqueue_dma source(%dma_start3A_58 : memref<632x128xf32, #tpu.memory_space<vmem_shared>>) target(%dma_start3A_56 : memref<632x128xf32, #tpu.memory_space<hbm>>) target_semaphore(%arg16 : memref<!tpu.dma_semaphore, #tpu.memory_space<semaphore_mem>>)
    %dma_wait3A_59 = arith.constant 0 : i32
    %dma_wait3A_60 = tpu.memref_slice %arg6[%arg0, %mul3A_53, %dma_wait3A_59] : memref<2x10112x128xf32, #tpu.memory_space<hbm>> -> memref<1x632x128xf32, #tpu.memory_space<hbm>>
    %dma_wait3A_61 = tpu.memref_squeeze %dma_wait3A_60 : memref<1x632x128xf32, #tpu.memory_space<hbm>> -> memref<632x128xf32, #tpu.memory_space<hbm>>
    %dma_wait3A_62 = arith.constant 0 : i32
    %dma_wait3A_63 = tpu.memref_slice %arg7[%mul3A_51, %dma_wait3A_62] : memref<10112x128xf32, #tpu.memory_space<vmem_shared>> -> memref<632x128xf32, #tpu.memory_space<vmem_shared>>
    tpu.wait_dma2 semaphore(%arg16 : memref<!tpu.dma_semaphore, #tpu.memory_space<semaphore_mem>>) src(%dma_wait3A_63 : memref<632x128xf32, #tpu.memory_space<vmem_shared>>) dst(%dma_wait3A_61 : memref<632x128xf32, #tpu.memory_space<hbm>>)
    return
  }
}

#map = affine_map<(d0, d1) -> (0, 0)>
#map1 = affine_map<(d0, d1) -> (0, 0, 0)>
module attributes {stable_mosaic.version = 14 : i64} {
  func.func @k(%arg0: i32, %arg1: i32, %arg2: memref<160000x128xf32, #tpu.memory_space<hbm>>, %arg3: memref<32x10240xi32, #tpu.memory_space<hbm>>, %arg4: memref<32x80x128xi32, #tpu.memory_space<hbm>>, %arg5: memref<632x128xf32, #tpu.memory_space<hbm>>, %arg6: memref<2x10112x128xf32, #tpu.memory_space<hbm>>, %arg7: memref<10112x128xf32, #tpu.memory_space<vmem_shared>>, %arg8: memref<128xi32, #tpu.memory_space<vmem>>, %arg9: memref<128xi32, #tpu.memory_space<vmem>>, %arg10: memref<128xi32, #tpu.memory_space<vmem>>, %arg11: memref<128xi32, #tpu.memory_space<vmem>>, %arg12: memref<128x128xf32, #tpu.memory_space<vmem>>, %arg13: memref<128x128xf32, #tpu.memory_space<vmem>>, %arg14: memref<!tpu.dma_semaphore, #tpu.memory_space<semaphore_mem>>, %arg15: memref<!tpu.dma_semaphore, #tpu.memory_space<semaphore_mem>>, %arg16: memref<!tpu.dma_semaphore, #tpu.memory_space<semaphore_mem>>, %arg17: memref<!tpu.dma_semaphore, #tpu.memory_space<semaphore_mem>>, %arg18: memref<!tpu.dma_semaphore, #tpu.memory_space<semaphore_mem>>, %arg19: memref<!tpu.dma_semaphore, #tpu.memory_space<semaphore_mem>>) attributes {dimension_semantics = [#tpu.dimension_semantics<core_parallel>, #tpu.dimension_semantics<subcore_parallel>], iteration_bounds = array<i64: 2, 16>, scalar_prefetch = 0 : i64, scratch_operands = 13 : i64, tpu.core_type = #tpu.core_type<sc_vector_subcore>, window_params = [{transform_indices = #map}, {transform_indices = #map}, {transform_indices = #map1}, {transform_indices = #map}, {transform_indices = #map1}]} {
    %mul3A = arith.constant 16 : i32
    %mul3A_0 = arith.muli %arg0, %mul3A : i32
    %add3A = arith.addi %mul3A_0, %arg1 : i32
    %mul3A_1 = arith.constant 632 : i32
    %mul3A_2 = arith.muli %arg1, %mul3A_1 : i32
    %dma_start3A = arith.constant 0 : i32
    %dma_start3A_3 = tpu.memref_slice %arg7[%mul3A_2, %dma_start3A] : memref<10112x128xf32, #tpu.memory_space<vmem_shared>> -> memref<632x128xf32, #tpu.memory_space<vmem_shared>>
    tpu.enqueue_dma source(%arg5 : memref<632x128xf32, #tpu.memory_space<hbm>>) target(%dma_start3A_3 : memref<632x128xf32, #tpu.memory_space<vmem_shared>>) target_semaphore(%arg16 : memref<!tpu.dma_semaphore, #tpu.memory_space<semaphore_mem>>)
    %dma_wait3A = arith.constant 0 : i32
    %dma_wait3A_4 = tpu.memref_slice %arg7[%mul3A_2, %dma_wait3A] : memref<10112x128xf32, #tpu.memory_space<vmem_shared>> -> memref<632x128xf32, #tpu.memory_space<vmem_shared>>
    tpu.wait_dma2 semaphore(%arg16 : memref<!tpu.dma_semaphore, #tpu.memory_space<semaphore_mem>>) src(%arg5 : memref<632x128xf32, #tpu.memory_space<hbm>>) dst(%dma_wait3A_4 : memref<632x128xf32, #tpu.memory_space<vmem_shared>>)
    %barrier3A = arith.constant 0 : index
    tpu.barrier barrier_id(%barrier3A)
    %dma_start3A_5 = arith.constant 0 : i32
    %dma_start3A_6 = tpu.memref_slice %arg3[%add3A, %dma_start3A_5] : memref<32x10240xi32, #tpu.memory_space<hbm>> -> memref<1x128xi32, #tpu.memory_space<hbm>>
    %dma_start3A_7 = tpu.memref_squeeze %dma_start3A_6 : memref<1x128xi32, #tpu.memory_space<hbm>> -> memref<128xi32, #tpu.memory_space<hbm>>
    %dma_start3A_8 = arith.constant 0 : i32
    %dma_start3A_9 = tpu.memref_slice %arg3[%add3A, %dma_start3A_8] : memref<32x10240xi32, #tpu.memory_space<hbm>> -> memref<1x128xi32, #tpu.memory_space<hbm>>
    %dma_start3A_10 = tpu.memref_squeeze %dma_start3A_9 : memref<1x128xi32, #tpu.memory_space<hbm>> -> memref<128xi32, #tpu.memory_space<hbm>>
    tpu.enqueue_dma source(%dma_start3A_10 : memref<128xi32, #tpu.memory_space<hbm>>) target(%arg8 : memref<128xi32, #tpu.memory_space<vmem>>) target_semaphore(%arg14 : memref<!tpu.dma_semaphore, #tpu.memory_space<semaphore_mem>>)
    %dma_start3A_11 = arith.constant 128 : i32
    %dma_start3A_12 = tpu.memref_slice %arg3[%add3A, %dma_start3A_11] : memref<32x10240xi32, #tpu.memory_space<hbm>> -> memref<1x128xi32, #tpu.memory_space<hbm>>
    %dma_start3A_13 = tpu.memref_squeeze %dma_start3A_12 : memref<1x128xi32, #tpu.memory_space<hbm>> -> memref<128xi32, #tpu.memory_space<hbm>>
    %dma_start3A_14 = arith.constant 128 : i32
    %dma_start3A_15 = tpu.memref_slice %arg3[%add3A, %dma_start3A_14] : memref<32x10240xi32, #tpu.memory_space<hbm>> -> memref<1x128xi32, #tpu.memory_space<hbm>>
    %dma_start3A_16 = tpu.memref_squeeze %dma_start3A_15 : memref<1x128xi32, #tpu.memory_space<hbm>> -> memref<128xi32, #tpu.memory_space<hbm>>
    tpu.enqueue_dma source(%dma_start3A_16 : memref<128xi32, #tpu.memory_space<hbm>>) target(%arg9 : memref<128xi32, #tpu.memory_space<vmem>>) target_semaphore(%arg15 : memref<!tpu.dma_semaphore, #tpu.memory_space<semaphore_mem>>)
    %dma_start3A_17 = arith.constant 0 : i32
    %dma_start3A_18 = arith.constant 0 : i32
    %dma_start3A_19 = tpu.memref_slice %arg4[%add3A, %dma_start3A_17, %dma_start3A_18] : memref<32x80x128xi32, #tpu.memory_space<hbm>> -> memref<1x1x128xi32, #tpu.memory_space<hbm>>
    %dma_start3A_20 = tpu.memref_squeeze %dma_start3A_19 : memref<1x1x128xi32, #tpu.memory_space<hbm>> -> memref<128xi32, #tpu.memory_space<hbm>>
    %dma_start3A_21 = arith.constant 0 : i32
    %dma_start3A_22 = tpu.memref_slice %arg4[%add3A, %dma_start3A_17, %dma_start3A_21] : memref<32x80x128xi32, #tpu.memory_space<hbm>> -> memref<1x1x128xi32, #tpu.memory_space<hbm>>
    %dma_start3A_23 = tpu.memref_squeeze %dma_start3A_22 : memref<1x1x128xi32, #tpu.memory_space<hbm>> -> memref<128xi32, #tpu.memory_space<hbm>>
    tpu.enqueue_dma source(%dma_start3A_23 : memref<128xi32, #tpu.memory_space<hbm>>) target(%arg10 : memref<128xi32, #tpu.memory_space<vmem>>) target_semaphore(%arg14 : memref<!tpu.dma_semaphore, #tpu.memory_space<semaphore_mem>>)
    %dma_start3A_24 = arith.constant 1 : i32
    %dma_start3A_25 = arith.constant 0 : i32
    %dma_start3A_26 = tpu.memref_slice %arg4[%add3A, %dma_start3A_24, %dma_start3A_25] : memref<32x80x128xi32, #tpu.memory_space<hbm>> -> memref<1x1x128xi32, #tpu.memory_space<hbm>>
    %dma_start3A_27 = tpu.memref_squeeze %dma_start3A_26 : memref<1x1x128xi32, #tpu.memory_space<hbm>> -> memref<128xi32, #tpu.memory_space<hbm>>
    %dma_start3A_28 = arith.constant 0 : i32
    %dma_start3A_29 = tpu.memref_slice %arg4[%add3A, %dma_start3A_24, %dma_start3A_28] : memref<32x80x128xi32, #tpu.memory_space<hbm>> -> memref<1x1x128xi32, #tpu.memory_space<hbm>>
    %dma_start3A_30 = tpu.memref_squeeze %dma_start3A_29 : memref<1x1x128xi32, #tpu.memory_space<hbm>> -> memref<128xi32, #tpu.memory_space<hbm>>
    tpu.enqueue_dma source(%dma_start3A_30 : memref<128xi32, #tpu.memory_space<hbm>>) target(%arg11 : memref<128xi32, #tpu.memory_space<vmem>>) target_semaphore(%arg15 : memref<!tpu.dma_semaphore, #tpu.memory_space<semaphore_mem>>)
    %scan3A = arith.constant 0 : i32
    %scan3A_31 = arith.constant 39 : i32
    %scan3A_32 = arith.addi %scan3A, %scan3A_31 : i32
    %scan3A_33 = arith.constant 1 : i32
    scf.for %scan3A_100 = %scan3A to %scan3A_32 step %scan3A_33  : i32 {
      %mul3A_101 = arith.constant 1 : i32
      %mul3A_102 = arith.muli %scan3A_100, %mul3A_101 : i32
      %add3A_103 = arith.constant 0 : i32
      %add3A_104 = arith.addi %add3A_103, %mul3A_102 : i32
      %mul3A_105 = arith.constant 2 : i32
      %mul3A_106 = arith.muli %add3A_104, %mul3A_105 : i32
      %mul3A_107 = arith.constant 2 : i32
      %mul3A_108 = arith.muli %add3A_104, %mul3A_107 : i32
      %add3A_109 = arith.constant 1 : i32
      %add3A_110 = arith.addi %mul3A_108, %add3A_109 : i32
      %dma_wait3A_111 = arith.constant 0 : i32
      %dma_wait3A_112 = tpu.memref_slice %arg4[%add3A, %mul3A_106, %dma_wait3A_111] : memref<32x80x128xi32, #tpu.memory_space<hbm>> -> memref<1x1x128xi32, #tpu.memory_space<hbm>>
      %dma_wait3A_113 = tpu.memref_squeeze %dma_wait3A_112 : memref<1x1x128xi32, #tpu.memory_space<hbm>> -> memref<128xi32, #tpu.memory_space<hbm>>
      %dma_wait3A_114 = arith.constant 0 : i32
      %dma_wait3A_115 = tpu.memref_slice %arg4[%add3A, %mul3A_106, %dma_wait3A_114] : memref<32x80x128xi32, #tpu.memory_space<hbm>> -> memref<1x1x128xi32, #tpu.memory_space<hbm>>
      %dma_wait3A_116 = tpu.memref_squeeze %dma_wait3A_115 : memref<1x1x128xi32, #tpu.memory_space<hbm>> -> memref<128xi32, #tpu.memory_space<hbm>>
      tpu.wait_dma2 semaphore(%arg14 : memref<!tpu.dma_semaphore, #tpu.memory_space<semaphore_mem>>) src(%dma_wait3A_116 : memref<128xi32, #tpu.memory_space<hbm>>) dst(%arg10 : memref<128xi32, #tpu.memory_space<vmem>>)
      %mul3A_117 = arith.constant 128 : i32
      %mul3A_118 = arith.muli %mul3A_106, %mul3A_117 : i32
      %dma_wait3A_119 = tpu.memref_slice %arg3[%add3A, %mul3A_118] : memref<32x10240xi32, #tpu.memory_space<hbm>> -> memref<1x128xi32, #tpu.memory_space<hbm>>
      %dma_wait3A_120 = tpu.memref_squeeze %dma_wait3A_119 : memref<1x128xi32, #tpu.memory_space<hbm>> -> memref<128xi32, #tpu.memory_space<hbm>>
      %dma_wait3A_121 = tpu.memref_slice %arg3[%add3A, %mul3A_118] : memref<32x10240xi32, #tpu.memory_space<hbm>> -> memref<1x128xi32, #tpu.memory_space<hbm>>
      %dma_wait3A_122 = tpu.memref_squeeze %dma_wait3A_121 : memref<1x128xi32, #tpu.memory_space<hbm>> -> memref<128xi32, #tpu.memory_space<hbm>>
      tpu.wait_dma2 semaphore(%arg14 : memref<!tpu.dma_semaphore, #tpu.memory_space<semaphore_mem>>) src(%dma_wait3A_122 : memref<128xi32, #tpu.memory_space<hbm>>) dst(%arg8 : memref<128xi32, #tpu.memory_space<vmem>>)
      %dma_start3A_123 = arith.constant 0 : i32
      %dma_start3A_124 = arith.constant 0 : i32
      %dma_start3A_125 = tpu.memref_slice %arg2[%dma_start3A_123, %dma_start3A_124] : memref<160000x128xf32, #tpu.memory_space<hbm>> -> memref<160000x128xf32, #tpu.memory_space<hbm>>
      tpu.enqueue_indirect_dma source(%dma_start3A_125 : memref<160000x128xf32, #tpu.memory_space<hbm>>) target(%arg12 : memref<128x128xf32, #tpu.memory_space<vmem>>) offsets(%arg8 : memref<128xi32, #tpu.memory_space<vmem>>) semaphore(%arg16 : memref<!tpu.dma_semaphore, #tpu.memory_space<semaphore_mem>>)
      %dma_wait3A_126 = arith.constant 0 : i32
      %dma_wait3A_127 = tpu.memref_slice %arg4[%add3A, %add3A_110, %dma_wait3A_126] : memref<32x80x128xi32, #tpu.memory_space<hbm>> -> memref<1x1x128xi32, #tpu.memory_space<hbm>>
      %dma_wait3A_128 = tpu.memref_squeeze %dma_wait3A_127 : memref<1x1x128xi32, #tpu.memory_space<hbm>> -> memref<128xi32, #tpu.memory_space<hbm>>
      %dma_wait3A_129 = arith.constant 0 : i32
      %dma_wait3A_130 = tpu.memref_slice %arg4[%add3A, %add3A_110, %dma_wait3A_129] : memref<32x80x128xi32, #tpu.memory_space<hbm>> -> memref<1x1x128xi32, #tpu.memory_space<hbm>>
      %dma_wait3A_131 = tpu.memref_squeeze %dma_wait3A_130 : memref<1x1x128xi32, #tpu.memory_space<hbm>> -> memref<128xi32, #tpu.memory_space<hbm>>
      tpu.wait_dma2 semaphore(%arg15 : memref<!tpu.dma_semaphore, #tpu.memory_space<semaphore_mem>>) src(%dma_wait3A_131 : memref<128xi32, #tpu.memory_space<hbm>>) dst(%arg11 : memref<128xi32, #tpu.memory_space<vmem>>)
      %mul3A_132 = arith.constant 128 : i32
      %mul3A_133 = arith.muli %add3A_110, %mul3A_132 : i32
      %dma_wait3A_134 = tpu.memref_slice %arg3[%add3A, %mul3A_133] : memref<32x10240xi32, #tpu.memory_space<hbm>> -> memref<1x128xi32, #tpu.memory_space<hbm>>
      %dma_wait3A_135 = tpu.memref_squeeze %dma_wait3A_134 : memref<1x128xi32, #tpu.memory_space<hbm>> -> memref<128xi32, #tpu.memory_space<hbm>>
      %dma_wait3A_136 = tpu.memref_slice %arg3[%add3A, %mul3A_133] : memref<32x10240xi32, #tpu.memory_space<hbm>> -> memref<1x128xi32, #tpu.memory_space<hbm>>
      %dma_wait3A_137 = tpu.memref_squeeze %dma_wait3A_136 : memref<1x128xi32, #tpu.memory_space<hbm>> -> memref<128xi32, #tpu.memory_space<hbm>>
      tpu.wait_dma2 semaphore(%arg15 : memref<!tpu.dma_semaphore, #tpu.memory_space<semaphore_mem>>) src(%dma_wait3A_137 : memref<128xi32, #tpu.memory_space<hbm>>) dst(%arg9 : memref<128xi32, #tpu.memory_space<vmem>>)
      %dma_start3A_138 = arith.constant 0 : i32
      %dma_start3A_139 = arith.constant 0 : i32
      %dma_start3A_140 = tpu.memref_slice %arg2[%dma_start3A_138, %dma_start3A_139] : memref<160000x128xf32, #tpu.memory_space<hbm>> -> memref<160000x128xf32, #tpu.memory_space<hbm>>
      tpu.enqueue_indirect_dma source(%dma_start3A_140 : memref<160000x128xf32, #tpu.memory_space<hbm>>) target(%arg13 : memref<128x128xf32, #tpu.memory_space<vmem>>) offsets(%arg9 : memref<128xi32, #tpu.memory_space<vmem>>) semaphore(%arg17 : memref<!tpu.dma_semaphore, #tpu.memory_space<semaphore_mem>>)
      %dma_wait3A_141 = arith.constant 0 : i32
      %dma_wait3A_142 = arith.constant 0 : i32
      %dma_wait3A_143 = tpu.memref_slice %arg2[%dma_wait3A_141, %dma_wait3A_142] : memref<160000x128xf32, #tpu.memory_space<hbm>> -> memref<160000x128xf32, #tpu.memory_space<hbm>>
      tpu.wait_indirect_dma semaphore(%arg16 : memref<!tpu.dma_semaphore, #tpu.memory_space<semaphore_mem>>) src(%dma_wait3A_143 : memref<160000x128xf32, #tpu.memory_space<hbm>>) dst(%arg12 : memref<128x128xf32, #tpu.memory_space<vmem>>)
      %dma_start3A_144 = arith.constant 0 : i32
      %dma_start3A_145 = arith.constant 0 : i32
      %dma_start3A_146 = tpu.memref_slice %arg7[%dma_start3A_144, %dma_start3A_145] : memref<10112x128xf32, #tpu.memory_space<vmem_shared>> -> memref<10112x128xf32, #tpu.memory_space<vmem_shared>>
      tpu.enqueue_indirect_dma source(%arg12 : memref<128x128xf32, #tpu.memory_space<vmem>>) target(%dma_start3A_146 : memref<10112x128xf32, #tpu.memory_space<vmem_shared>>) offsets(%arg10 : memref<128xi32, #tpu.memory_space<vmem>>) semaphore(%arg18 : memref<!tpu.dma_semaphore, #tpu.memory_space<semaphore_mem>>) {add = true}
      %add3A_147 = arith.constant 2 : i32
      %add3A_148 = arith.addi %mul3A_106, %add3A_147 : i32
      %mul3A_149 = arith.constant 128 : i32
      %mul3A_150 = arith.muli %add3A_148, %mul3A_149 : i32
      %dma_start3A_151 = tpu.memref_slice %arg3[%add3A, %mul3A_150] : memref<32x10240xi32, #tpu.memory_space<hbm>> -> memref<1x128xi32, #tpu.memory_space<hbm>>
      %dma_start3A_152 = tpu.memref_squeeze %dma_start3A_151 : memref<1x128xi32, #tpu.memory_space<hbm>> -> memref<128xi32, #tpu.memory_space<hbm>>
      %dma_start3A_153 = tpu.memref_slice %arg3[%add3A, %mul3A_150] : memref<32x10240xi32, #tpu.memory_space<hbm>> -> memref<1x128xi32, #tpu.memory_space<hbm>>
      %dma_start3A_154 = tpu.memref_squeeze %dma_start3A_153 : memref<1x128xi32, #tpu.memory_space<hbm>> -> memref<128xi32, #tpu.memory_space<hbm>>
      tpu.enqueue_dma source(%dma_start3A_154 : memref<128xi32, #tpu.memory_space<hbm>>) target(%arg8 : memref<128xi32, #tpu.memory_space<vmem>>) target_semaphore(%arg14 : memref<!tpu.dma_semaphore, #tpu.memory_space<semaphore_mem>>)
      %dma_wait3A_155 = arith.constant 0 : i32
      %dma_wait3A_156 = arith.constant 0 : i32
      %dma_wait3A_157 = tpu.memref_slice %arg2[%dma_wait3A_155, %dma_wait3A_156] : memref<160000x128xf32, #tpu.memory_space<hbm>> -> memref<160000x128xf32, #tpu.memory_space<hbm>>
      tpu.wait_indirect_dma semaphore(%arg17 : memref<!tpu.dma_semaphore, #tpu.memory_space<semaphore_mem>>) src(%dma_wait3A_157 : memref<160000x128xf32, #tpu.memory_space<hbm>>) dst(%arg13 : memref<128x128xf32, #tpu.memory_space<vmem>>)
      %dma_start3A_158 = arith.constant 0 : i32
      %dma_start3A_159 = arith.constant 0 : i32
      %dma_start3A_160 = tpu.memref_slice %arg7[%dma_start3A_158, %dma_start3A_159] : memref<10112x128xf32, #tpu.memory_space<vmem_shared>> -> memref<10112x128xf32, #tpu.memory_space<vmem_shared>>
      tpu.enqueue_indirect_dma source(%arg13 : memref<128x128xf32, #tpu.memory_space<vmem>>) target(%dma_start3A_160 : memref<10112x128xf32, #tpu.memory_space<vmem_shared>>) offsets(%arg11 : memref<128xi32, #tpu.memory_space<vmem>>) semaphore(%arg19 : memref<!tpu.dma_semaphore, #tpu.memory_space<semaphore_mem>>) {add = true}
      %add3A_161 = arith.constant 2 : i32
      %add3A_162 = arith.addi %add3A_110, %add3A_161 : i32
      %mul3A_163 = arith.constant 128 : i32
      %mul3A_164 = arith.muli %add3A_162, %mul3A_163 : i32
      %dma_start3A_165 = tpu.memref_slice %arg3[%add3A, %mul3A_164] : memref<32x10240xi32, #tpu.memory_space<hbm>> -> memref<1x128xi32, #tpu.memory_space<hbm>>
      %dma_start3A_166 = tpu.memref_squeeze %dma_start3A_165 : memref<1x128xi32, #tpu.memory_space<hbm>> -> memref<128xi32, #tpu.memory_space<hbm>>
      %dma_start3A_167 = tpu.memref_slice %arg3[%add3A, %mul3A_164] : memref<32x10240xi32, #tpu.memory_space<hbm>> -> memref<1x128xi32, #tpu.memory_space<hbm>>
      %dma_start3A_168 = tpu.memref_squeeze %dma_start3A_167 : memref<1x128xi32, #tpu.memory_space<hbm>> -> memref<128xi32, #tpu.memory_space<hbm>>
      tpu.enqueue_dma source(%dma_start3A_168 : memref<128xi32, #tpu.memory_space<hbm>>) target(%arg9 : memref<128xi32, #tpu.memory_space<vmem>>) target_semaphore(%arg15 : memref<!tpu.dma_semaphore, #tpu.memory_space<semaphore_mem>>)
      %dma_wait3A_169 = arith.constant 0 : i32
      %dma_wait3A_170 = arith.constant 0 : i32
      %dma_wait3A_171 = tpu.memref_slice %arg7[%dma_wait3A_169, %dma_wait3A_170] : memref<10112x128xf32, #tpu.memory_space<vmem_shared>> -> memref<10112x128xf32, #tpu.memory_space<vmem_shared>>
      tpu.wait_indirect_dma semaphore(%arg18 : memref<!tpu.dma_semaphore, #tpu.memory_space<semaphore_mem>>) src(%arg12 : memref<128x128xf32, #tpu.memory_space<vmem>>) dst(%dma_wait3A_171 : memref<10112x128xf32, #tpu.memory_space<vmem_shared>>)
      %add3A_172 = arith.constant 2 : i32
      %add3A_173 = arith.addi %mul3A_106, %add3A_172 : i32
      %dma_start3A_174 = arith.constant 0 : i32
      %dma_start3A_175 = tpu.memref_slice %arg4[%add3A, %add3A_173, %dma_start3A_174] : memref<32x80x128xi32, #tpu.memory_space<hbm>> -> memref<1x1x128xi32, #tpu.memory_space<hbm>>
      %dma_start3A_176 = tpu.memref_squeeze %dma_start3A_175 : memref<1x1x128xi32, #tpu.memory_space<hbm>> -> memref<128xi32, #tpu.memory_space<hbm>>
      %dma_start3A_177 = arith.constant 0 : i32
      %dma_start3A_178 = tpu.memref_slice %arg4[%add3A, %add3A_173, %dma_start3A_177] : memref<32x80x128xi32, #tpu.memory_space<hbm>> -> memref<1x1x128xi32, #tpu.memory_space<hbm>>
      %dma_start3A_179 = tpu.memref_squeeze %dma_start3A_178 : memref<1x1x128xi32, #tpu.memory_space<hbm>> -> memref<128xi32, #tpu.memory_space<hbm>>
      tpu.enqueue_dma source(%dma_start3A_179 : memref<128xi32, #tpu.memory_space<hbm>>) target(%arg10 : memref<128xi32, #tpu.memory_space<vmem>>) target_semaphore(%arg14 : memref<!tpu.dma_semaphore, #tpu.memory_space<semaphore_mem>>)
      %dma_wait3A_180 = arith.constant 0 : i32
      %dma_wait3A_181 = arith.constant 0 : i32
      %dma_wait3A_182 = tpu.memref_slice %arg7[%dma_wait3A_180, %dma_wait3A_181] : memref<10112x128xf32, #tpu.memory_space<vmem_shared>> -> memref<10112x128xf32, #tpu.memory_space<vmem_shared>>
      tpu.wait_indirect_dma semaphore(%arg19 : memref<!tpu.dma_semaphore, #tpu.memory_space<semaphore_mem>>) src(%arg13 : memref<128x128xf32, #tpu.memory_space<vmem>>) dst(%dma_wait3A_182 : memref<10112x128xf32, #tpu.memory_space<vmem_shared>>)
      %add3A_183 = arith.constant 2 : i32
      %add3A_184 = arith.addi %add3A_110, %add3A_183 : i32
      %dma_start3A_185 = arith.constant 0 : i32
      %dma_start3A_186 = tpu.memref_slice %arg4[%add3A, %add3A_184, %dma_start3A_185] : memref<32x80x128xi32, #tpu.memory_space<hbm>> -> memref<1x1x128xi32, #tpu.memory_space<hbm>>
      %dma_start3A_187 = tpu.memref_squeeze %dma_start3A_186 : memref<1x1x128xi32, #tpu.memory_space<hbm>> -> memref<128xi32, #tpu.memory_space<hbm>>
      %dma_start3A_188 = arith.constant 0 : i32
      %dma_start3A_189 = tpu.memref_slice %arg4[%add3A, %add3A_184, %dma_start3A_188] : memref<32x80x128xi32, #tpu.memory_space<hbm>> -> memref<1x1x128xi32, #tpu.memory_space<hbm>>
      %dma_start3A_190 = tpu.memref_squeeze %dma_start3A_189 : memref<1x1x128xi32, #tpu.memory_space<hbm>> -> memref<128xi32, #tpu.memory_space<hbm>>
      tpu.enqueue_dma source(%dma_start3A_190 : memref<128xi32, #tpu.memory_space<hbm>>) target(%arg11 : memref<128xi32, #tpu.memory_space<vmem>>) target_semaphore(%arg15 : memref<!tpu.dma_semaphore, #tpu.memory_space<semaphore_mem>>)
    }
    %scan3A_34 = arith.constant 39 : i32
    %dma_wait3A_35 = arith.constant 78 : i32
    %dma_wait3A_36 = arith.constant 0 : i32
    %dma_wait3A_37 = tpu.memref_slice %arg4[%add3A, %dma_wait3A_35, %dma_wait3A_36] : memref<32x80x128xi32, #tpu.memory_space<hbm>> -> memref<1x1x128xi32, #tpu.memory_space<hbm>>
    %dma_wait3A_38 = tpu.memref_squeeze %dma_wait3A_37 : memref<1x1x128xi32, #tpu.memory_space<hbm>> -> memref<128xi32, #tpu.memory_space<hbm>>
    %dma_wait3A_39 = arith.constant 0 : i32
    %dma_wait3A_40 = tpu.memref_slice %arg4[%add3A, %dma_wait3A_35, %dma_wait3A_39] : memref<32x80x128xi32, #tpu.memory_space<hbm>> -> memref<1x1x128xi32, #tpu.memory_space<hbm>>
    %dma_wait3A_41 = tpu.memref_squeeze %dma_wait3A_40 : memref<1x1x128xi32, #tpu.memory_space<hbm>> -> memref<128xi32, #tpu.memory_space<hbm>>
    tpu.wait_dma2 semaphore(%arg14 : memref<!tpu.dma_semaphore, #tpu.memory_space<semaphore_mem>>) src(%dma_wait3A_41 : memref<128xi32, #tpu.memory_space<hbm>>) dst(%arg10 : memref<128xi32, #tpu.memory_space<vmem>>)
    %dma_wait3A_42 = arith.constant 9984 : i32
    %dma_wait3A_43 = tpu.memref_slice %arg3[%add3A, %dma_wait3A_42] : memref<32x10240xi32, #tpu.memory_space<hbm>> -> memref<1x128xi32, #tpu.memory_space<hbm>>
    %dma_wait3A_44 = tpu.memref_squeeze %dma_wait3A_43 : memref<1x128xi32, #tpu.memory_space<hbm>> -> memref<128xi32, #tpu.memory_space<hbm>>
    %dma_wait3A_45 = arith.constant 9984 : i32
    %dma_wait3A_46 = tpu.memref_slice %arg3[%add3A, %dma_wait3A_45] : memref<32x10240xi32, #tpu.memory_space<hbm>> -> memref<1x128xi32, #tpu.memory_space<hbm>>
    %dma_wait3A_47 = tpu.memref_squeeze %dma_wait3A_46 : memref<1x128xi32, #tpu.memory_space<hbm>> -> memref<128xi32, #tpu.memory_space<hbm>>
    tpu.wait_dma2 semaphore(%arg14 : memref<!tpu.dma_semaphore, #tpu.memory_space<semaphore_mem>>) src(%dma_wait3A_47 : memref<128xi32, #tpu.memory_space<hbm>>) dst(%arg8 : memref<128xi32, #tpu.memory_space<vmem>>)
    %dma_start3A_48 = arith.constant 0 : i32
    %dma_start3A_49 = arith.constant 0 : i32
    %dma_start3A_50 = tpu.memref_slice %arg2[%dma_start3A_48, %dma_start3A_49] : memref<160000x128xf32, #tpu.memory_space<hbm>> -> memref<160000x128xf32, #tpu.memory_space<hbm>>
    tpu.enqueue_indirect_dma source(%dma_start3A_50 : memref<160000x128xf32, #tpu.memory_space<hbm>>) target(%arg12 : memref<128x128xf32, #tpu.memory_space<vmem>>) offsets(%arg8 : memref<128xi32, #tpu.memory_space<vmem>>) semaphore(%arg16 : memref<!tpu.dma_semaphore, #tpu.memory_space<semaphore_mem>>)
    %dma_wait3A_51 = arith.constant 79 : i32
    %dma_wait3A_52 = arith.constant 0 : i32
    %dma_wait3A_53 = tpu.memref_slice %arg4[%add3A, %dma_wait3A_51, %dma_wait3A_52] : memref<32x80x128xi32, #tpu.memory_space<hbm>> -> memref<1x1x128xi32, #tpu.memory_space<hbm>>
    %dma_wait3A_54 = tpu.memref_squeeze %dma_wait3A_53 : memref<1x1x128xi32, #tpu.memory_space<hbm>> -> memref<128xi32, #tpu.memory_space<hbm>>
    %dma_wait3A_55 = arith.constant 0 : i32
    %dma_wait3A_56 = tpu.memref_slice %arg4[%add3A, %dma_wait3A_51, %dma_wait3A_55] : memref<32x80x128xi32, #tpu.memory_space<hbm>> -> memref<1x1x128xi32, #tpu.memory_space<hbm>>
    %dma_wait3A_57 = tpu.memref_squeeze %dma_wait3A_56 : memref<1x1x128xi32, #tpu.memory_space<hbm>> -> memref<128xi32, #tpu.memory_space<hbm>>
    tpu.wait_dma2 semaphore(%arg15 : memref<!tpu.dma_semaphore, #tpu.memory_space<semaphore_mem>>) src(%dma_wait3A_57 : memref<128xi32, #tpu.memory_space<hbm>>) dst(%arg11 : memref<128xi32, #tpu.memory_space<vmem>>)
    %dma_wait3A_58 = arith.constant 10112 : i32
    %dma_wait3A_59 = tpu.memref_slice %arg3[%add3A, %dma_wait3A_58] : memref<32x10240xi32, #tpu.memory_space<hbm>> -> memref<1x128xi32, #tpu.memory_space<hbm>>
    %dma_wait3A_60 = tpu.memref_squeeze %dma_wait3A_59 : memref<1x128xi32, #tpu.memory_space<hbm>> -> memref<128xi32, #tpu.memory_space<hbm>>
    %dma_wait3A_61 = arith.constant 10112 : i32
    %dma_wait3A_62 = tpu.memref_slice %arg3[%add3A, %dma_wait3A_61] : memref<32x10240xi32, #tpu.memory_space<hbm>> -> memref<1x128xi32, #tpu.memory_space<hbm>>
    %dma_wait3A_63 = tpu.memref_squeeze %dma_wait3A_62 : memref<1x128xi32, #tpu.memory_space<hbm>> -> memref<128xi32, #tpu.memory_space<hbm>>
    tpu.wait_dma2 semaphore(%arg15 : memref<!tpu.dma_semaphore, #tpu.memory_space<semaphore_mem>>) src(%dma_wait3A_63 : memref<128xi32, #tpu.memory_space<hbm>>) dst(%arg9 : memref<128xi32, #tpu.memory_space<vmem>>)
    %dma_start3A_64 = arith.constant 0 : i32
    %dma_start3A_65 = arith.constant 0 : i32
    %dma_start3A_66 = tpu.memref_slice %arg2[%dma_start3A_64, %dma_start3A_65] : memref<160000x128xf32, #tpu.memory_space<hbm>> -> memref<160000x128xf32, #tpu.memory_space<hbm>>
    tpu.enqueue_indirect_dma source(%dma_start3A_66 : memref<160000x128xf32, #tpu.memory_space<hbm>>) target(%arg13 : memref<128x128xf32, #tpu.memory_space<vmem>>) offsets(%arg9 : memref<128xi32, #tpu.memory_space<vmem>>) semaphore(%arg17 : memref<!tpu.dma_semaphore, #tpu.memory_space<semaphore_mem>>)
    %dma_wait3A_67 = arith.constant 0 : i32
    %dma_wait3A_68 = arith.constant 0 : i32
    %dma_wait3A_69 = tpu.memref_slice %arg2[%dma_wait3A_67, %dma_wait3A_68] : memref<160000x128xf32, #tpu.memory_space<hbm>> -> memref<160000x128xf32, #tpu.memory_space<hbm>>
    tpu.wait_indirect_dma semaphore(%arg16 : memref<!tpu.dma_semaphore, #tpu.memory_space<semaphore_mem>>) src(%dma_wait3A_69 : memref<160000x128xf32, #tpu.memory_space<hbm>>) dst(%arg12 : memref<128x128xf32, #tpu.memory_space<vmem>>)
    %dma_start3A_70 = arith.constant 0 : i32
    %dma_start3A_71 = arith.constant 0 : i32
    %dma_start3A_72 = tpu.memref_slice %arg7[%dma_start3A_70, %dma_start3A_71] : memref<10112x128xf32, #tpu.memory_space<vmem_shared>> -> memref<10112x128xf32, #tpu.memory_space<vmem_shared>>
    tpu.enqueue_indirect_dma source(%arg12 : memref<128x128xf32, #tpu.memory_space<vmem>>) target(%dma_start3A_72 : memref<10112x128xf32, #tpu.memory_space<vmem_shared>>) offsets(%arg10 : memref<128xi32, #tpu.memory_space<vmem>>) semaphore(%arg18 : memref<!tpu.dma_semaphore, #tpu.memory_space<semaphore_mem>>) {add = true}
    %dma_wait3A_73 = arith.constant 0 : i32
    %dma_wait3A_74 = arith.constant 0 : i32
    %dma_wait3A_75 = tpu.memref_slice %arg2[%dma_wait3A_73, %dma_wait3A_74] : memref<160000x128xf32, #tpu.memory_space<hbm>> -> memref<160000x128xf32, #tpu.memory_space<hbm>>
    tpu.wait_indirect_dma semaphore(%arg17 : memref<!tpu.dma_semaphore, #tpu.memory_space<semaphore_mem>>) src(%dma_wait3A_75 : memref<160000x128xf32, #tpu.memory_space<hbm>>) dst(%arg13 : memref<128x128xf32, #tpu.memory_space<vmem>>)
    %dma_start3A_76 = arith.constant 0 : i32
    %dma_start3A_77 = arith.constant 0 : i32
    %dma_start3A_78 = tpu.memref_slice %arg7[%dma_start3A_76, %dma_start3A_77] : memref<10112x128xf32, #tpu.memory_space<vmem_shared>> -> memref<10112x128xf32, #tpu.memory_space<vmem_shared>>
    tpu.enqueue_indirect_dma source(%arg13 : memref<128x128xf32, #tpu.memory_space<vmem>>) target(%dma_start3A_78 : memref<10112x128xf32, #tpu.memory_space<vmem_shared>>) offsets(%arg11 : memref<128xi32, #tpu.memory_space<vmem>>) semaphore(%arg19 : memref<!tpu.dma_semaphore, #tpu.memory_space<semaphore_mem>>) {add = true}
    %dma_wait3A_79 = arith.constant 0 : i32
    %dma_wait3A_80 = arith.constant 0 : i32
    %dma_wait3A_81 = tpu.memref_slice %arg7[%dma_wait3A_79, %dma_wait3A_80] : memref<10112x128xf32, #tpu.memory_space<vmem_shared>> -> memref<10112x128xf32, #tpu.memory_space<vmem_shared>>
    tpu.wait_indirect_dma semaphore(%arg18 : memref<!tpu.dma_semaphore, #tpu.memory_space<semaphore_mem>>) src(%arg12 : memref<128x128xf32, #tpu.memory_space<vmem>>) dst(%dma_wait3A_81 : memref<10112x128xf32, #tpu.memory_space<vmem_shared>>)
    %dma_wait3A_82 = arith.constant 0 : i32
    %dma_wait3A_83 = arith.constant 0 : i32
    %dma_wait3A_84 = tpu.memref_slice %arg7[%dma_wait3A_82, %dma_wait3A_83] : memref<10112x128xf32, #tpu.memory_space<vmem_shared>> -> memref<10112x128xf32, #tpu.memory_space<vmem_shared>>
    tpu.wait_indirect_dma semaphore(%arg19 : memref<!tpu.dma_semaphore, #tpu.memory_space<semaphore_mem>>) src(%arg13 : memref<128x128xf32, #tpu.memory_space<vmem>>) dst(%dma_wait3A_84 : memref<10112x128xf32, #tpu.memory_space<vmem_shared>>)
    %barrier3A_85 = arith.constant 0 : index
    tpu.barrier barrier_id(%barrier3A_85)
    %mul3A_86 = arith.constant 632 : i32
    %mul3A_87 = arith.muli %arg1, %mul3A_86 : i32
    %mul3A_88 = arith.constant 632 : i32
    %mul3A_89 = arith.muli %arg1, %mul3A_88 : i32
    %dma_start3A_90 = arith.constant 0 : i32
    %dma_start3A_91 = tpu.memref_slice %arg6[%arg0, %mul3A_89, %dma_start3A_90] : memref<2x10112x128xf32, #tpu.memory_space<hbm>> -> memref<1x632x128xf32, #tpu.memory_space<hbm>>
    %dma_start3A_92 = tpu.memref_squeeze %dma_start3A_91 : memref<1x632x128xf32, #tpu.memory_space<hbm>> -> memref<632x128xf32, #tpu.memory_space<hbm>>
    %dma_start3A_93 = arith.constant 0 : i32
    %dma_start3A_94 = tpu.memref_slice %arg7[%mul3A_87, %dma_start3A_93] : memref<10112x128xf32, #tpu.memory_space<vmem_shared>> -> memref<632x128xf32, #tpu.memory_space<vmem_shared>>
    tpu.enqueue_dma source(%dma_start3A_94 : memref<632x128xf32, #tpu.memory_space<vmem_shared>>) target(%dma_start3A_92 : memref<632x128xf32, #tpu.memory_space<hbm>>) target_semaphore(%arg16 : memref<!tpu.dma_semaphore, #tpu.memory_space<semaphore_mem>>)
    %dma_wait3A_95 = arith.constant 0 : i32
    %dma_wait3A_96 = tpu.memref_slice %arg6[%arg0, %mul3A_89, %dma_wait3A_95] : memref<2x10112x128xf32, #tpu.memory_space<hbm>> -> memref<1x632x128xf32, #tpu.memory_space<hbm>>
    %dma_wait3A_97 = tpu.memref_squeeze %dma_wait3A_96 : memref<1x632x128xf32, #tpu.memory_space<hbm>> -> memref<632x128xf32, #tpu.memory_space<hbm>>
    %dma_wait3A_98 = arith.constant 0 : i32
    %dma_wait3A_99 = tpu.memref_slice %arg7[%mul3A_87, %dma_wait3A_98] : memref<10112x128xf32, #tpu.memory_space<vmem_shared>> -> memref<632x128xf32, #tpu.memory_space<vmem_shared>>
    tpu.wait_dma2 semaphore(%arg16 : memref<!tpu.dma_semaphore, #tpu.memory_space<semaphore_mem>>) src(%dma_wait3A_99 : memref<632x128xf32, #tpu.memory_space<vmem_shared>>) dst(%dma_wait3A_97 : memref<632x128xf32, #tpu.memory_space<hbm>>)
    return
  }
}

module attributes {stable_mosaic.version = 14 : i64} {
  func.func @_tc_prep_body(%arg0: i32, %arg1: memref<400x128xf32, #tpu.memory_space<vmem>>, %arg2: memref<128x2048xf32, #tpu.memory_space<vmem>>, %arg3: memref<128x128xf32, #tpu.memory_space<vmem>>, %arg4: memref<1x128xf32, #tpu.memory_space<vmem>>, %arg5: memref<400x2048xf32, #tpu.memory_space<vmem>>, %arg6: memref<400x128xf32, #tpu.memory_space<vmem>>) attributes {dimension_semantics = [#tpu.dimension_semantics<arbitrary>], iteration_bounds = array<i64: 25>, scalar_prefetch = 0 : i64, scratch_operands = 0 : i64, tpu.core_type = #tpu.core_type<tc>, window_params = [{transform_indices = @transform_0, window_bounds = array<i64: 400, 128>}, {pipeline_mode = #tpu.pipeline_mode<synchronous>, transform_indices = @transform_1, window_bounds = array<i64: 128, 2048>}, {pipeline_mode = #tpu.pipeline_mode<synchronous>, transform_indices = @transform_2, window_bounds = array<i64: 128, 128>}, {pipeline_mode = #tpu.pipeline_mode<synchronous>, transform_indices = @transform_3, window_bounds = array<i64: 1, 128>}, {transform_indices = @transform_4, window_bounds = array<i64: 400, 2048>}, {transform_indices = @transform_5, window_bounds = array<i64: 400, 128>}]} {
    %get3A = arith.constant 0 : index
    %get3A_0 = arith.constant 0 : index
    %get3A_1 = vector.load %arg1[%get3A, %get3A_0] : memref<400x128xf32, #tpu.memory_space<vmem>>, vector<400x128xf32>
    %get3A_2 = arith.constant 0 : index
    %get3A_3 = arith.constant 0 : index
    %get3A_4 = vector.load %arg2[%get3A_2, %get3A_3] : memref<128x2048xf32, #tpu.memory_space<vmem>>, vector<128x2048xf32>
    %dot_general3A = arith.constant dense<0.000000e+00> : vector<400x2048xf32>
    %dot_general3A_5 = tpu.matmul %get3A_1, %get3A_4, %dot_general3A {dimension_numbers = #tpu.dot_dimension_numbers<[1], [0], [0], [1], [0, 0, 1, 1], [], []>, transpose_lhs_hint = false} : vector<400x128xf32>, vector<128x2048xf32>, vector<400x2048xf32> -> vector<400x2048xf32>
    %swap3A = arith.constant 0 : index
    %swap3A_6 = arith.constant 0 : index
    %swap3A_7 = vector.load %arg5[%swap3A, %swap3A_6] : memref<400x2048xf32, #tpu.memory_space<vmem>>, vector<400x2048xf32>
    tpu.vector_store %arg5[%swap3A, %swap3A_6], %dot_general3A_5 {strides = array<i32>} : memref<400x2048xf32, #tpu.memory_space<vmem>>, vector<400x2048xf32>,
    %get3A_8 = arith.constant 0 : index
    %get3A_9 = arith.constant 0 : index
    %get3A_10 = vector.load %arg3[%get3A_8, %get3A_9] : memref<128x128xf32, #tpu.memory_space<vmem>>, vector<128x128xf32>
    %dot_general3A_11 = arith.constant dense<0.000000e+00> : vector<400x128xf32>
    %dot_general3A_12 = tpu.matmul %get3A_1, %get3A_10, %dot_general3A_11 {dimension_numbers = #tpu.dot_dimension_numbers<[1], [0], [0], [1], [0, 0, 1, 1], [], []>, transpose_lhs_hint = false} : vector<400x128xf32>, vector<128x128xf32>, vector<400x128xf32> -> vector<400x128xf32>
    %get3A_13 = arith.constant 0 : index
    %get3A_14 = arith.constant 0 : index
    %get3A_15 = vector.load %arg4[%get3A_13, %get3A_14] : memref<1x128xf32, #tpu.memory_space<vmem>>, vector<1x128xf32>
    %add3A = vector.broadcast %get3A_15 : vector<1x128xf32> to vector<400x128xf32>
    %add3A_16 = arith.addf %dot_general3A_12, %add3A : vector<400x128xf32>
    %swap3A_17 = arith.constant 0 : index
    %swap3A_18 = arith.constant 0 : index
    %swap3A_19 = vector.load %arg6[%swap3A_17, %swap3A_18] : memref<400x128xf32, #tpu.memory_space<vmem>>, vector<400x128xf32>
    tpu.vector_store %arg6[%swap3A_17, %swap3A_18], %add3A_16 {strides = array<i32>} : memref<400x128xf32, #tpu.memory_space<vmem>>, vector<400x128xf32>,
    return
  }
  func.func @transform_0(%arg0: i32) -> (i32, i32) {
    %c0_i32 = arith.constant 0 : i32
    %c0_i32_0 = arith.constant 0 : i32
    return %arg0, %c0_i32 : i32, i32
  }
  func.func @transform_1(%arg0: i32) -> (i32, i32) {
    %c0_i32 = arith.constant 0 : i32
    %c0_i32_0 = arith.constant 0 : i32
    %c0_i32_1 = arith.constant 0 : i32
    return %c0_i32, %c0_i32_0 : i32, i32
  }
  func.func @transform_2(%arg0: i32) -> (i32, i32) {
    %c0_i32 = arith.constant 0 : i32
    %c0_i32_0 = arith.constant 0 : i32
    %c0_i32_1 = arith.constant 0 : i32
    return %c0_i32, %c0_i32_0 : i32, i32
  }
  func.func @transform_3(%arg0: i32) -> (i32, i32) {
    %c0_i32 = arith.constant 0 : i32
    %c0_i32_0 = arith.constant 0 : i32
    %c0_i32_1 = arith.constant 0 : i32
    return %c0_i32, %c0_i32_0 : i32, i32
  }
  func.func @transform_4(%arg0: i32) -> (i32, i32) {
    %c0_i32 = arith.constant 0 : i32
    %c0_i32_0 = arith.constant 0 : i32
    return %arg0, %c0_i32 : i32, i32
  }
  func.func @transform_5(%arg0: i32) -> (i32, i32) {
    %c0_i32 = arith.constant 0 : i32
    %c0_i32_0 = arith.constant 0 : i32
    return %arg0, %c0_i32 : i32, i32
  }
}

module attributes {stable_mosaic.version = 14 : i64} {
  func.func @_tc_mid_body(%arg0: i32, %arg1: memref<400x128xf32, #tpu.memory_space<vmem>>, %arg2: memref<400x128xf32, #tpu.memory_space<vmem>>, %arg3: memref<400x128xf32, #tpu.memory_space<vmem>>, %arg4: memref<400x128xf32, #tpu.memory_space<vmem>>, %arg5: memref<400x128xf32, #tpu.memory_space<vmem>>, %arg6: memref<128x2048xf32, #tpu.memory_space<vmem>>, %arg7: memref<128x128xf32, #tpu.memory_space<vmem>>, %arg8: memref<1x128xf32, #tpu.memory_space<vmem>>, %arg9: memref<400x128xf32, #tpu.memory_space<vmem>>, %arg10: memref<400x2048xf32, #tpu.memory_space<vmem>>, %arg11: memref<400x128xf32, #tpu.memory_space<vmem>>) attributes {dimension_semantics = [#tpu.dimension_semantics<arbitrary>], iteration_bounds = array<i64: 25>, scalar_prefetch = 0 : i64, scratch_operands = 0 : i64, tpu.core_type = #tpu.core_type<tc>, window_params = [{transform_indices = @transform_0, window_bounds = array<i64: 400, 128>}, {transform_indices = @transform_1, window_bounds = array<i64: 400, 128>}, {transform_indices = @transform_2, window_bounds = array<i64: 400, 128>}, {transform_indices = @transform_3, window_bounds = array<i64: 400, 128>}, {transform_indices = @transform_4, window_bounds = array<i64: 400, 128>}, {pipeline_mode = #tpu.pipeline_mode<synchronous>, transform_indices = @transform_5, window_bounds = array<i64: 128, 2048>}, {pipeline_mode = #tpu.pipeline_mode<synchronous>, transform_indices = @transform_6, window_bounds = array<i64: 128, 128>}, {pipeline_mode = #tpu.pipeline_mode<synchronous>, transform_indices = @transform_7, window_bounds = array<i64: 1, 128>}, {transform_indices = @transform_8, window_bounds = array<i64: 400, 128>}, {transform_indices = @transform_9, window_bounds = array<i64: 400, 2048>}, {transform_indices = @transform_10, window_bounds = array<i64: 400, 128>}]} {
    %get3A = arith.constant 0 : index
    %get3A_0 = arith.constant 0 : index
    %get3A_1 = vector.load %arg3[%get3A, %get3A_0] : memref<400x128xf32, #tpu.memory_space<vmem>>, vector<400x128xf32>
    %slice3A = vector.extract_strided_slice %get3A_1 {offsets = [0, 0], sizes = [400, 1], strides = [1, 1]} : vector<400x128xf32> to vector<400x1xf32>
    %get3A_2 = arith.constant 0 : index
    %get3A_3 = arith.constant 0 : index
    %get3A_4 = vector.load %arg4[%get3A_2, %get3A_3] : memref<400x128xf32, #tpu.memory_space<vmem>>, vector<400x128xf32>
    %slice3A_5 = vector.extract_strided_slice %get3A_4 {offsets = [0, 0], sizes = [400, 1], strides = [1, 1]} : vector<400x128xf32> to vector<400x1xf32>
    %add3A = arith.addf %slice3A, %slice3A_5 : vector<400x1xf32>
    %max3A = arith.constant 1.000000e+00 : f32
    %max3A_6 = vector.broadcast %max3A : f32 to vector<400x1xf32>
    %max3A_7 = arith.maximumf %add3A, %max3A_6 : vector<400x1xf32>
    %get3A_8 = arith.constant 0 : index
    %get3A_9 = arith.constant 0 : index
    %get3A_10 = vector.load %arg1[%get3A_8, %get3A_9] : memref<400x128xf32, #tpu.memory_space<vmem>>, vector<400x128xf32>
    %get3A_11 = arith.constant 0 : index
    %get3A_12 = arith.constant 0 : index
    %get3A_13 = vector.load %arg2[%get3A_11, %get3A_12] : memref<400x128xf32, #tpu.memory_space<vmem>>, vector<400x128xf32>
    %add3A_14 = arith.addf %get3A_10, %get3A_13 : vector<400x128xf32>
    %div3A = vector.broadcast %max3A_7 : vector<400x1xf32> to vector<400x128xf32>
    %div3A_15 = arith.divf %add3A_14, %div3A : vector<400x128xf32>
    %get3A_16 = arith.constant 0 : index
    %get3A_17 = arith.constant 0 : index
    %get3A_18 = vector.load %arg5[%get3A_16, %get3A_17] : memref<400x128xf32, #tpu.memory_space<vmem>>, vector<400x128xf32>
    %add3A_19 = arith.addf %div3A_15, %get3A_18 : vector<400x128xf32>
    %max3A_20 = arith.constant 0.000000e+00 : f32
    %max3A_21 = vector.broadcast %max3A_20 : f32 to vector<400x128xf32>
    %max3A_22 = arith.maximumf %add3A_19, %max3A_21 : vector<400x128xf32>
    %swap3A = arith.constant 0 : index
    %swap3A_23 = arith.constant 0 : index
    %swap3A_24 = vector.load %arg9[%swap3A, %swap3A_23] : memref<400x128xf32, #tpu.memory_space<vmem>>, vector<400x128xf32>
    tpu.vector_store %arg9[%swap3A, %swap3A_23], %max3A_22 {strides = array<i32>} : memref<400x128xf32, #tpu.memory_space<vmem>>, vector<400x128xf32>,
    %get3A_25 = arith.constant 0 : index
    %get3A_26 = arith.constant 0 : index
    %get3A_27 = vector.load %arg6[%get3A_25, %get3A_26] : memref<128x2048xf32, #tpu.memory_space<vmem>>, vector<128x2048xf32>
    %dot_general3A = arith.constant dense<0.000000e+00> : vector<400x2048xf32>
    %dot_general3A_28 = tpu.matmul %max3A_22, %get3A_27, %dot_general3A {dimension_numbers = #tpu.dot_dimension_numbers<[1], [0], [0], [1], [0, 0, 1, 1], [], []>, transpose_lhs_hint = false} : vector<400x128xf32>, vector<128x2048xf32>, vector<400x2048xf32> -> vector<400x2048xf32>
    %swap3A_29 = arith.constant 0 : index
    %swap3A_30 = arith.constant 0 : index
    %swap3A_31 = vector.load %arg10[%swap3A_29, %swap3A_30] : memref<400x2048xf32, #tpu.memory_space<vmem>>, vector<400x2048xf32>
    tpu.vector_store %arg10[%swap3A_29, %swap3A_30], %dot_general3A_28 {strides = array<i32>} : memref<400x2048xf32, #tpu.memory_space<vmem>>, vector<400x2048xf32>,
    %get3A_32 = arith.constant 0 : index
    %get3A_33 = arith.constant 0 : index
    %get3A_34 = vector.load %arg7[%get3A_32, %get3A_33] : memref<128x128xf32, #tpu.memory_space<vmem>>, vector<128x128xf32>
    %dot_general3A_35 = arith.constant dense<0.000000e+00> : vector<400x128xf32>
    %dot_general3A_36 = tpu.matmul %max3A_22, %get3A_34, %dot_general3A_35 {dimension_numbers = #tpu.dot_dimension_numbers<[1], [0], [0], [1], [0, 0, 1, 1], [], []>, transpose_lhs_hint = false} : vector<400x128xf32>, vector<128x128xf32>, vector<400x128xf32> -> vector<400x128xf32>
    %get3A_37 = arith.constant 0 : index
    %get3A_38 = arith.constant 0 : index
    %get3A_39 = vector.load %arg8[%get3A_37, %get3A_38] : memref<1x128xf32, #tpu.memory_space<vmem>>, vector<1x128xf32>
    %add3A_40 = vector.broadcast %get3A_39 : vector<1x128xf32> to vector<400x128xf32>
    %add3A_41 = arith.addf %dot_general3A_36, %add3A_40 : vector<400x128xf32>
    %swap3A_42 = arith.constant 0 : index
    %swap3A_43 = arith.constant 0 : index
    %swap3A_44 = vector.load %arg11[%swap3A_42, %swap3A_43] : memref<400x128xf32, #tpu.memory_space<vmem>>, vector<400x128xf32>
    tpu.vector_store %arg11[%swap3A_42, %swap3A_43], %add3A_41 {strides = array<i32>} : memref<400x128xf32, #tpu.memory_space<vmem>>, vector<400x128xf32>,
    return
  }
  func.func @transform_0(%arg0: i32) -> (i32, i32) {
    %c0_i32 = arith.constant 0 : i32
    %c0_i32_0 = arith.constant 0 : i32
    return %arg0, %c0_i32 : i32, i32
  }
  func.func @transform_1(%arg0: i32) -> (i32, i32) {
    %c0_i32 = arith.constant 0 : i32
    %c0_i32_0 = arith.constant 0 : i32
    return %arg0, %c0_i32 : i32, i32
  }
  func.func @transform_2(%arg0: i32) -> (i32, i32) {
    %c0_i32 = arith.constant 0 : i32
    %c0_i32_0 = arith.constant 0 : i32
    return %arg0, %c0_i32 : i32, i32
  }
  func.func @transform_3(%arg0: i32) -> (i32, i32) {
    %c0_i32 = arith.constant 0 : i32
    %c0_i32_0 = arith.constant 0 : i32
    return %arg0, %c0_i32 : i32, i32
  }
  func.func @transform_4(%arg0: i32) -> (i32, i32) {
    %c0_i32 = arith.constant 0 : i32
    %c0_i32_0 = arith.constant 0 : i32
    return %arg0, %c0_i32 : i32, i32
  }
  func.func @transform_5(%arg0: i32) -> (i32, i32) {
    %c0_i32 = arith.constant 0 : i32
    %c0_i32_0 = arith.constant 0 : i32
    %c0_i32_1 = arith.constant 0 : i32
    return %c0_i32, %c0_i32_0 : i32, i32
  }
  func.func @transform_6(%arg0: i32) -> (i32, i32) {
    %c0_i32 = arith.constant 0 : i32
    %c0_i32_0 = arith.constant 0 : i32
    %c0_i32_1 = arith.constant 0 : i32
    return %c0_i32, %c0_i32_0 : i32, i32
  }
  func.func @transform_7(%arg0: i32) -> (i32, i32) {
    %c0_i32 = arith.constant 0 : i32
    %c0_i32_0 = arith.constant 0 : i32
    %c0_i32_1 = arith.constant 0 : i32
    return %c0_i32, %c0_i32_0 : i32, i32
  }
  func.func @transform_8(%arg0: i32) -> (i32, i32) {
    %c0_i32 = arith.constant 0 : i32
    %c0_i32_0 = arith.constant 0 : i32
    return %arg0, %c0_i32 : i32, i32
  }
  func.func @transform_9(%arg0: i32) -> (i32, i32) {
    %c0_i32 = arith.constant 0 : i32
    %c0_i32_0 = arith.constant 0 : i32
    return %arg0, %c0_i32 : i32, i32
  }
  func.func @transform_10(%arg0: i32) -> (i32, i32) {
    %c0_i32 = arith.constant 0 : i32
    %c0_i32_0 = arith.constant 0 : i32
    return %arg0, %c0_i32 : i32, i32
  }
}

module attributes {stable_mosaic.version = 14 : i64} {
  func.func @_tc_final_body(%arg0: i32, %arg1: memref<400x128xf32, #tpu.memory_space<vmem>>, %arg2: memref<400x128xf32, #tpu.memory_space<vmem>>, %arg3: memref<400x128xf32, #tpu.memory_space<vmem>>, %arg4: memref<400x128xf32, #tpu.memory_space<vmem>>, %arg5: memref<400x128xf32, #tpu.memory_space<vmem>>, %arg6: memref<400x128xf32, #tpu.memory_space<vmem>>, %arg7: memref<400x1xi32, #tpu.memory_space<vmem>>, %arg8: memref<128x128xf32, #tpu.memory_space<vmem>>, %arg9: memref<128x128xf32, #tpu.memory_space<vmem>>, %arg10: memref<128x128xf32, #tpu.memory_space<vmem>>, %arg11: memref<1x128xf32, #tpu.memory_space<vmem>>, %arg12: memref<128x2xf32, #tpu.memory_space<vmem>>, %arg13: memref<1x2xf32, #tpu.memory_space<vmem>>, %arg14: memref<128x3xf32, #tpu.memory_space<vmem>>, %arg15: memref<128x3xf32, #tpu.memory_space<vmem>>, %arg16: memref<16x128xf32, #tpu.memory_space<vmem>>, %arg17: memref<8x1xi32, #tpu.memory_space<vmem>>, %arg18: memref<128x1xf32, #tpu.memory_space<vmem>>, %arg19: memref<1x1xf32, #tpu.memory_space<vmem>>, %arg20: memref<8x1xf32, #tpu.memory_space<vmem>>) attributes {dimension_semantics = [#tpu.dimension_semantics<arbitrary>], iteration_bounds = array<i64: 25>, scalar_prefetch = 0 : i64, scratch_operands = 0 : i64, tpu.core_type = #tpu.core_type<tc>, window_params = [{transform_indices = @transform_0, window_bounds = array<i64: 400, 128>}, {transform_indices = @transform_1, window_bounds = array<i64: 400, 128>}, {transform_indices = @transform_2, window_bounds = array<i64: 400, 128>}, {transform_indices = @transform_3, window_bounds = array<i64: 400, 128>}, {transform_indices = @transform_4, window_bounds = array<i64: 400, 128>}, {transform_indices = @transform_5, window_bounds = array<i64: 400, 128>}, {transform_indices = @transform_6, window_bounds = array<i64: 400, 1>}, {pipeline_mode = #tpu.pipeline_mode<synchronous>, transform_indices = @transform_7, window_bounds = array<i64: 128, 128>}, {pipeline_mode = #tpu.pipeline_mode<synchronous>, transform_indices = @transform_8, window_bounds = array<i64: 128, 128>}, {pipeline_mode = #tpu.pipeline_mode<synchronous>, transform_indices = @transform_9, window_bounds = array<i64: 128, 128>}, {pipeline_mode = #tpu.pipeline_mode<synchronous>, transform_indices = @transform_10, window_bounds = array<i64: 1, 128>}, {pipeline_mode = #tpu.pipeline_mode<synchronous>, transform_indices = @transform_11, window_bounds = array<i64: 128, 2>}, {pipeline_mode = #tpu.pipeline_mode<synchronous>, transform_indices = @transform_12, window_bounds = array<i64: 1, 2>}, {pipeline_mode = #tpu.pipeline_mode<synchronous>, transform_indices = @transform_13, window_bounds = array<i64: 128, 3>}, {pipeline_mode = #tpu.pipeline_mode<synchronous>, transform_indices = @transform_14, window_bounds = array<i64: 128, 3>}, {pipeline_mode = #tpu.pipeline_mode<synchronous>, transform_indices = @transform_15, window_bounds = array<i64: 16, 128>}, {transform_indices = @transform_16, window_bounds = array<i64: 8, 1>}, {pipeline_mode = #tpu.pipeline_mode<synchronous>, transform_indices = @transform_17, window_bounds = array<i64: 128, 1>}, {pipeline_mode = #tpu.pipeline_mode<synchronous>, transform_indices = @transform_18, window_bounds = array<i64: 1, 1>}, {transform_indices = @transform_19, window_bounds = array<i64: 8, 1>}]} {
    %get3A = arith.constant 0 : index
    %get3A_0 = arith.constant 0 : index
    %get3A_1 = vector.load %arg3[%get3A, %get3A_0] : memref<400x128xf32, #tpu.memory_space<vmem>>, vector<400x128xf32>
    %slice3A = vector.extract_strided_slice %get3A_1 {offsets = [0, 0], sizes = [400, 1], strides = [1, 1]} : vector<400x128xf32> to vector<400x1xf32>
    %get3A_2 = arith.constant 0 : index
    %get3A_3 = arith.constant 0 : index
    %get3A_4 = vector.load %arg4[%get3A_2, %get3A_3] : memref<400x128xf32, #tpu.memory_space<vmem>>, vector<400x128xf32>
    %slice3A_5 = vector.extract_strided_slice %get3A_4 {offsets = [0, 0], sizes = [400, 1], strides = [1, 1]} : vector<400x128xf32> to vector<400x1xf32>
    %add3A = arith.addf %slice3A, %slice3A_5 : vector<400x1xf32>
    %max3A = arith.constant 1.000000e+00 : f32
    %max3A_6 = vector.broadcast %max3A : f32 to vector<400x1xf32>
    %max3A_7 = arith.maximumf %add3A, %max3A_6 : vector<400x1xf32>
    %get3A_8 = arith.constant 0 : index
    %get3A_9 = arith.constant 0 : index
    %get3A_10 = vector.load %arg1[%get3A_8, %get3A_9] : memref<400x128xf32, #tpu.memory_space<vmem>>, vector<400x128xf32>
    %get3A_11 = arith.constant 0 : index
    %get3A_12 = arith.constant 0 : index
    %get3A_13 = vector.load %arg2[%get3A_11, %get3A_12] : memref<400x128xf32, #tpu.memory_space<vmem>>, vector<400x128xf32>
    %add3A_14 = arith.addf %get3A_10, %get3A_13 : vector<400x128xf32>
    %div3A = vector.broadcast %max3A_7 : vector<400x1xf32> to vector<400x128xf32>
    %div3A_15 = arith.divf %add3A_14, %div3A : vector<400x128xf32>
    %get3A_16 = arith.constant 0 : index
    %get3A_17 = arith.constant 0 : index
    %get3A_18 = vector.load %arg5[%get3A_16, %get3A_17] : memref<400x128xf32, #tpu.memory_space<vmem>>, vector<400x128xf32>
    %add3A_19 = arith.addf %div3A_15, %get3A_18 : vector<400x128xf32>
    %max3A_20 = arith.constant 0.000000e+00 : f32
    %max3A_21 = vector.broadcast %max3A_20 : f32 to vector<400x128xf32>
    %max3A_22 = arith.maximumf %add3A_19, %max3A_21 : vector<400x128xf32>
    %get3A_23 = arith.constant 0 : index
    %get3A_24 = arith.constant 0 : index
    %get3A_25 = vector.load %arg6[%get3A_23, %get3A_24] : memref<400x128xf32, #tpu.memory_space<vmem>>, vector<400x128xf32>
    %get3A_26 = arith.constant 0 : index
    %get3A_27 = arith.constant 0 : index
    %get3A_28 = vector.load %arg7[%get3A_26, %get3A_27] : memref<400x1xi32, #tpu.memory_space<vmem>>, vector<400x1xi32>
    %iota3A = tpu.iota {dimensions = array<i32: 1>} : vector<400x16xi32>
    %eq3A = vector.broadcast %get3A_28 : vector<400x1xi32> to vector<400x16xi32>
    %eq3A_29 = arith.cmpi eq, %eq3A, %iota3A : vector<400x16xi32>
    %convert_element_type3A = arith.extui %eq3A_29 : vector<400x16xi1> to vector<400x16xi32>
    %convert_element_type3A_30 = arith.sitofp %convert_element_type3A : vector<400x16xi32> to vector<400x16xf32>
    %get3A_31 = arith.constant 0 : index
    %get3A_32 = arith.constant 0 : index
    %get3A_33 = vector.load %arg16[%get3A_31, %get3A_32] : memref<16x128xf32, #tpu.memory_space<vmem>>, vector<16x128xf32>
    %dot_general3A = arith.constant dense<0.000000e+00> : vector<400x128xf32>
    %dot_general3A_34 = tpu.matmul %convert_element_type3A_30, %get3A_33, %dot_general3A {dimension_numbers = #tpu.dot_dimension_numbers<[1], [0], [0], [1], [0, 0, 1, 1], [], []>, transpose_lhs_hint = false} : vector<400x16xf32>, vector<16x128xf32>, vector<400x128xf32> -> vector<400x128xf32>
    %get3A_35 = arith.constant 0 : index
    %get3A_36 = arith.constant 0 : index
    %get3A_37 = vector.load %arg8[%get3A_35, %get3A_36] : memref<128x128xf32, #tpu.memory_space<vmem>>, vector<128x128xf32>
    %dot_general3A_38 = arith.constant dense<0.000000e+00> : vector<400x128xf32>
    %dot_general3A_39 = tpu.matmul %get3A_25, %get3A_37, %dot_general3A_38 {dimension_numbers = #tpu.dot_dimension_numbers<[1], [0], [0], [1], [0, 0, 1, 1], [], []>, transpose_lhs_hint = false} : vector<400x128xf32>, vector<128x128xf32>, vector<400x128xf32> -> vector<400x128xf32>
    %get3A_40 = arith.constant 0 : index
    %get3A_41 = arith.constant 0 : index
    %get3A_42 = vector.load %arg9[%get3A_40, %get3A_41] : memref<128x128xf32, #tpu.memory_space<vmem>>, vector<128x128xf32>
    %dot_general3A_43 = arith.constant dense<0.000000e+00> : vector<400x128xf32>
    %dot_general3A_44 = tpu.matmul %max3A_22, %get3A_42, %dot_general3A_43 {dimension_numbers = #tpu.dot_dimension_numbers<[1], [0], [0], [1], [0, 0, 1, 1], [], []>, transpose_lhs_hint = false} : vector<400x128xf32>, vector<128x128xf32>, vector<400x128xf32> -> vector<400x128xf32>
    %add3A_45 = arith.addf %dot_general3A_39, %dot_general3A_44 : vector<400x128xf32>
    %get3A_46 = arith.constant 0 : index
    %get3A_47 = arith.constant 0 : index
    %get3A_48 = vector.load %arg10[%get3A_46, %get3A_47] : memref<128x128xf32, #tpu.memory_space<vmem>>, vector<128x128xf32>
    %dot_general3A_49 = arith.constant dense<0.000000e+00> : vector<400x128xf32>
    %dot_general3A_50 = tpu.matmul %dot_general3A_34, %get3A_48, %dot_general3A_49 {dimension_numbers = #tpu.dot_dimension_numbers<[1], [0], [0], [1], [0, 0, 1, 1], [], []>, transpose_lhs_hint = false} : vector<400x128xf32>, vector<128x128xf32>, vector<400x128xf32> -> vector<400x128xf32>
    %add3A_51 = arith.addf %add3A_45, %dot_general3A_50 : vector<400x128xf32>
    %get3A_52 = arith.constant 0 : index
    %get3A_53 = arith.constant 0 : index
    %get3A_54 = vector.load %arg11[%get3A_52, %get3A_53] : memref<1x128xf32, #tpu.memory_space<vmem>>, vector<1x128xf32>
    %add3A_55 = vector.broadcast %get3A_54 : vector<1x128xf32> to vector<400x128xf32>
    %add3A_56 = arith.addf %add3A_51, %add3A_55 : vector<400x128xf32>
    %max3A_57 = arith.constant 0.000000e+00 : f32
    %max3A_58 = vector.broadcast %max3A_57 : f32 to vector<400x128xf32>
    %max3A_59 = arith.maximumf %add3A_56, %max3A_58 : vector<400x128xf32>
    %get3A_60 = arith.constant 0 : index
    %get3A_61 = arith.constant 0 : index
    %get3A_62 = vector.load %arg12[%get3A_60, %get3A_61] : memref<128x2xf32, #tpu.memory_space<vmem>>, vector<128x2xf32>
    %dot_general3A_63 = arith.constant dense<0.000000e+00> : vector<400x2xf32>
    %dot_general3A_64 = tpu.matmul %max3A_59, %get3A_62, %dot_general3A_63 {dimension_numbers = #tpu.dot_dimension_numbers<[1], [0], [0], [1], [0, 0, 1, 1], [], []>, transpose_lhs_hint = false} : vector<400x128xf32>, vector<128x2xf32>, vector<400x2xf32> -> vector<400x2xf32>
    %get3A_65 = arith.constant 0 : index
    %get3A_66 = arith.constant 0 : index
    %get3A_67 = vector.load %arg13[%get3A_65, %get3A_66] : memref<1x2xf32, #tpu.memory_space<vmem>>, vector<1x2xf32>
    %add3A_68 = vector.broadcast %get3A_67 : vector<1x2xf32> to vector<400x2xf32>
    %add3A_69 = arith.addf %dot_general3A_64, %add3A_68 : vector<400x2xf32>
    %logistic3A = arith.negf %add3A_69 : vector<400x2xf32>
    %logistic3A_70 = math.exp %logistic3A : vector<400x2xf32>
    %logistic3A_71 = arith.constant 1.000000e+00 : f32
    %logistic3A_72 = vector.broadcast %logistic3A_71 : f32 to vector<400x2xf32>
    %logistic3A_73 = arith.addf %logistic3A_72, %logistic3A_70 : vector<400x2xf32>
    %logistic3A_74 = arith.divf %logistic3A_72, %logistic3A_73 : vector<400x2xf32>
    %get3A_75 = arith.constant 0 : index
    %get3A_76 = arith.constant 0 : index
    %get3A_77 = vector.load %arg14[%get3A_75, %get3A_76] : memref<128x3xf32, #tpu.memory_space<vmem>>, vector<128x3xf32>
    %dot_general3A_78 = arith.constant dense<0.000000e+00> : vector<400x3xf32>
    %dot_general3A_79 = tpu.matmul %get3A_25, %get3A_77, %dot_general3A_78 {dimension_numbers = #tpu.dot_dimension_numbers<[1], [0], [0], [1], [0, 0, 1, 1], [], []>, transpose_lhs_hint = false} : vector<400x128xf32>, vector<128x3xf32>, vector<400x3xf32> -> vector<400x3xf32>
    %get3A_80 = arith.constant 0 : index
    %get3A_81 = arith.constant 0 : index
    %get3A_82 = vector.load %arg15[%get3A_80, %get3A_81] : memref<128x3xf32, #tpu.memory_space<vmem>>, vector<128x3xf32>
    %dot_general3A_83 = arith.constant dense<0.000000e+00> : vector<400x3xf32>
    %dot_general3A_84 = tpu.matmul %max3A_22, %get3A_82, %dot_general3A_83 {dimension_numbers = #tpu.dot_dimension_numbers<[1], [0], [0], [1], [0, 0, 1, 1], [], []>, transpose_lhs_hint = false} : vector<400x128xf32>, vector<128x3xf32>, vector<400x3xf32> -> vector<400x3xf32>
    %slice3A_85 = vector.extract_strided_slice %logistic3A_74 {offsets = [0, 0], sizes = [400, 1], strides = [1, 1]} : vector<400x2xf32> to vector<400x1xf32>
    %slice3A_86 = vector.extract_strided_slice %dot_general3A_79 {offsets = [0, 0], sizes = [400, 1], strides = [1, 1]} : vector<400x3xf32> to vector<400x1xf32>
    %mul3A = arith.mulf %slice3A_85, %slice3A_86 : vector<400x1xf32>
    %slice3A_87 = vector.extract_strided_slice %logistic3A_74 {offsets = [0, 1], sizes = [400, 1], strides = [1, 1]} : vector<400x2xf32> to vector<400x1xf32>
    %slice3A_88 = vector.extract_strided_slice %dot_general3A_84 {offsets = [0, 0], sizes = [400, 1], strides = [1, 1]} : vector<400x3xf32> to vector<400x1xf32>
    %mul3A_89 = arith.mulf %slice3A_87, %slice3A_88 : vector<400x1xf32>
    %slice3A_90 = vector.extract_strided_slice %logistic3A_74 {offsets = [0, 0], sizes = [400, 1], strides = [1, 1]} : vector<400x2xf32> to vector<400x1xf32>
    %slice3A_91 = vector.extract_strided_slice %logistic3A_74 {offsets = [0, 1], sizes = [400, 1], strides = [1, 1]} : vector<400x2xf32> to vector<400x1xf32>
    %slice3A_92 = vector.extract_strided_slice %dot_general3A_79 {offsets = [0, 1], sizes = [400, 1], strides = [1, 1]} : vector<400x3xf32> to vector<400x1xf32>
    %slice3A_93 = vector.extract_strided_slice %dot_general3A_84 {offsets = [0, 1], sizes = [400, 1], strides = [1, 1]} : vector<400x3xf32> to vector<400x1xf32>
    %add3A_94 = arith.addf %slice3A_92, %slice3A_93 : vector<400x1xf32>
    %slice3A_95 = vector.extract_strided_slice %dot_general3A_79 {offsets = [0, 2], sizes = [400, 1], strides = [1, 1]} : vector<400x3xf32> to vector<400x1xf32>
    %slice3A_96 = vector.extract_strided_slice %dot_general3A_84 {offsets = [0, 2], sizes = [400, 1], strides = [1, 1]} : vector<400x3xf32> to vector<400x1xf32>
    %add3A_97 = arith.addf %slice3A_95, %slice3A_96 : vector<400x1xf32>
    %concatenate3A = tpu.concatenate %mul3A, %mul3A_89, %slice3A_90, %slice3A_91, %add3A_94, %add3A_97 in 1 : vector<400x1xf32>, vector<400x1xf32>, vector<400x1xf32>, vector<400x1xf32>, vector<400x1xf32>, vector<400x1xf32> -> vector<400x6xf32>
    %iota3A_98 = tpu.iota {dimensions = array<i32: 0>} : vector<8x400xi32>
    %iota3A_99 = tpu.iota {dimensions = array<i32: 1>} : vector<8x400xi32>
    %jit3A = arith.constant 50 : i32
    %div3A_100 = vector.broadcast %jit3A : i32 to vector<8x400xi32>
    %div3A_101 = arith.divsi %iota3A_99, %div3A_100 : vector<8x400xi32>
    %sign3A = arith.constant 0 : i32
    %sign3A_102 = vector.broadcast %sign3A : i32 to vector<8x400xi32>
    %sign3A_103 = arith.cmpi sgt, %iota3A_99, %sign3A_102 : vector<8x400xi32>
    %sign3A_104 = arith.extui %sign3A_103 : vector<8x400xi1> to vector<8x400xi32>
    %sign3A_105 = arith.constant 0 : i32
    %sign3A_106 = vector.broadcast %sign3A_105 : i32 to vector<8x400xi32>
    %sign3A_107 = arith.cmpi slt, %iota3A_99, %sign3A_106 : vector<8x400xi32>
    %sign3A_108 = arith.extui %sign3A_107 : vector<8x400xi1> to vector<8x400xi32>
    %sign3A_109 = arith.subi %sign3A_104, %sign3A_108 : vector<8x400xi32>
    %sign3A_110 = arith.constant 0 : i32
    %sign3A_111 = arith.cmpi sgt, %jit3A, %sign3A_110 : i32
    %sign3A_112 = arith.extui %sign3A_111 : i1 to i32
    %sign3A_113 = arith.constant 0 : i32
    %sign3A_114 = arith.cmpi slt, %jit3A, %sign3A_113 : i32
    %sign3A_115 = arith.extui %sign3A_114 : i1 to i32
    %sign3A_116 = arith.subi %sign3A_112, %sign3A_115 : i32
    %ne3A = vector.broadcast %sign3A_116 : i32 to vector<8x400xi32>
    %ne3A_117 = arith.cmpi ne, %sign3A_109, %ne3A : vector<8x400xi32>
    %rem3A = vector.broadcast %jit3A : i32 to vector<8x400xi32>
    %rem3A_118 = arith.remsi %iota3A_99, %rem3A : vector<8x400xi32>
    %ne3A_119 = arith.constant 0 : i32
    %ne3A_120 = vector.broadcast %ne3A_119 : i32 to vector<8x400xi32>
    %ne3A_121 = arith.cmpi ne, %rem3A_118, %ne3A_120 : vector<8x400xi32>
    %and3A = arith.andi %ne3A_117, %ne3A_121 : vector<8x400xi1>
    %sub3A = arith.constant 1 : i32
    %sub3A_122 = vector.broadcast %sub3A : i32 to vector<8x400xi32>
    %sub3A_123 = arith.subi %div3A_101, %sub3A_122 : vector<8x400xi32>
    %select_n3A = arith.select %and3A, %sub3A_123, %div3A_101 : vector<8x400xi1>, vector<8x400xi32>
    %eq3A_124 = arith.cmpi eq, %select_n3A, %iota3A_98 : vector<8x400xi32>
    %convert_element_type3A_125 = arith.extui %eq3A_124 : vector<8x400xi1> to vector<8x400xi32>
    %convert_element_type3A_126 = arith.sitofp %convert_element_type3A_125 : vector<8x400xi32> to vector<8x400xf32>
    %mul3A_127 = arith.constant 50 : i32
    %mul3A_128 = vector.broadcast %mul3A_127 : i32 to vector<8x400xi32>
    %mul3A_129 = arith.muli %iota3A_98, %mul3A_128 : vector<8x400xi32>
    %eq3A_130 = arith.cmpi eq, %iota3A_99, %mul3A_129 : vector<8x400xi32>
    %convert_element_type3A_131 = arith.extui %eq3A_130 : vector<8x400xi1> to vector<8x400xi32>
    %convert_element_type3A_132 = arith.sitofp %convert_element_type3A_131 : vector<8x400xi32> to vector<8x400xf32>
    %mul3A_133 = arith.constant 50 : i32
    %mul3A_134 = vector.broadcast %mul3A_133 : i32 to vector<8x400xi32>
    %mul3A_135 = arith.muli %iota3A_98, %mul3A_134 : vector<8x400xi32>
    %add3A_136 = arith.constant 1 : i32
    %add3A_137 = vector.broadcast %add3A_136 : i32 to vector<8x400xi32>
    %add3A_138 = arith.addi %mul3A_135, %add3A_137 : vector<8x400xi32>
    %eq3A_139 = arith.cmpi eq, %iota3A_99, %add3A_138 : vector<8x400xi32>
    %convert_element_type3A_140 = arith.extui %eq3A_139 : vector<8x400xi1> to vector<8x400xi32>
    %convert_element_type3A_141 = arith.sitofp %convert_element_type3A_140 : vector<8x400xi32> to vector<8x400xf32>
    %slice3A_142 = vector.extract_strided_slice %concatenate3A {offsets = [0, 0], sizes = [400, 4], strides = [1, 1]} : vector<400x6xf32> to vector<400x4xf32>
    %dot_general3A_143 = arith.constant dense<0.000000e+00> : vector<8x4xf32>
    %dot_general3A_144 = tpu.matmul %convert_element_type3A_126, %slice3A_142, %dot_general3A_143 {dimension_numbers = #tpu.dot_dimension_numbers<[1], [0], [0], [1], [0, 0, 1, 1], [], []>, transpose_lhs_hint = false} : vector<8x400xf32>, vector<400x4xf32>, vector<8x4xf32> -> vector<8x4xf32>
    %slice3A_145 = vector.extract_strided_slice %concatenate3A {offsets = [0, 4], sizes = [400, 1], strides = [1, 1]} : vector<400x6xf32> to vector<400x1xf32>
    %dot_general3A_146 = arith.constant dense<0.000000e+00> : vector<8x1xf32>
    %dot_general3A_147 = tpu.matmul %convert_element_type3A_132, %slice3A_145, %dot_general3A_146 {dimension_numbers = #tpu.dot_dimension_numbers<[1], [0], [0], [1], [0, 0, 1, 1], [], []>, transpose_lhs_hint = false} : vector<8x400xf32>, vector<400x1xf32>, vector<8x1xf32> -> vector<8x1xf32>
    %slice3A_148 = vector.extract_strided_slice %concatenate3A {offsets = [0, 5], sizes = [400, 1], strides = [1, 1]} : vector<400x6xf32> to vector<400x1xf32>
    %dot_general3A_149 = arith.constant dense<0.000000e+00> : vector<8x1xf32>
    %dot_general3A_150 = tpu.matmul %convert_element_type3A_141, %slice3A_148, %dot_general3A_149 {dimension_numbers = #tpu.dot_dimension_numbers<[1], [0], [0], [1], [0, 0, 1, 1], [], []>, transpose_lhs_hint = false} : vector<8x400xf32>, vector<400x1xf32>, vector<8x1xf32> -> vector<8x1xf32>
    %get3A_151 = arith.constant 0 : index
    %get3A_152 = arith.constant 0 : index
    %get3A_153 = vector.load %arg16[%get3A_151, %get3A_152] : memref<16x128xf32, #tpu.memory_space<vmem>>, vector<16x128xf32>
    %get3A_154 = arith.constant 0 : index
    %get3A_155 = arith.constant 0 : index
    %get3A_156 = vector.load %arg18[%get3A_154, %get3A_155] : memref<128x1xf32, #tpu.memory_space<vmem>>, vector<128x1xf32>
    %dot_general3A_157 = arith.constant dense<0.000000e+00> : vector<16x1xf32>
    %dot_general3A_158 = tpu.matmul %get3A_153, %get3A_156, %dot_general3A_157 {dimension_numbers = #tpu.dot_dimension_numbers<[1], [0], [0], [1], [0, 0, 1, 1], [], []>, transpose_lhs_hint = false} : vector<16x128xf32>, vector<128x1xf32>, vector<16x1xf32> -> vector<16x1xf32>
    %get3A_159 = arith.constant 0 : index
    %get3A_160 = arith.constant 0 : index
    %get3A_161 = vector.load %arg17[%get3A_159, %get3A_160] : memref<8x1xi32, #tpu.memory_space<vmem>>, vector<8x1xi32>
    %iota3A_162 = tpu.iota {dimensions = array<i32: 1>} : vector<8x16xi32>
    %eq3A_163 = vector.broadcast %get3A_161 : vector<8x1xi32> to vector<8x16xi32>
    %eq3A_164 = arith.cmpi eq, %eq3A_163, %iota3A_162 : vector<8x16xi32>
    %convert_element_type3A_165 = arith.extui %eq3A_164 : vector<8x16xi1> to vector<8x16xi32>
    %convert_element_type3A_166 = arith.sitofp %convert_element_type3A_165 : vector<8x16xi32> to vector<8x16xf32>
    %dot_general3A_167 = arith.constant dense<0.000000e+00> : vector<8x1xf32>
    %dot_general3A_168 = tpu.matmul %convert_element_type3A_166, %dot_general3A_158, %dot_general3A_167 {dimension_numbers = #tpu.dot_dimension_numbers<[1], [0], [0], [1], [0, 0, 1, 1], [], []>, transpose_lhs_hint = false} : vector<8x16xf32>, vector<16x1xf32>, vector<8x1xf32> -> vector<8x1xf32>
    %slice3A_169 = vector.extract_strided_slice %dot_general3A_144 {offsets = [0, 0], sizes = [8, 1], strides = [1, 1]} : vector<8x4xf32> to vector<8x1xf32>
    %slice3A_170 = vector.extract_strided_slice %dot_general3A_144 {offsets = [0, 2], sizes = [8, 1], strides = [1, 1]} : vector<8x4xf32> to vector<8x1xf32>
    %div3A_171 = arith.divf %slice3A_169, %slice3A_170 : vector<8x1xf32>
    %slice3A_172 = vector.extract_strided_slice %dot_general3A_144 {offsets = [0, 1], sizes = [8, 1], strides = [1, 1]} : vector<8x4xf32> to vector<8x1xf32>
    %slice3A_173 = vector.extract_strided_slice %dot_general3A_144 {offsets = [0, 3], sizes = [8, 1], strides = [1, 1]} : vector<8x4xf32> to vector<8x1xf32>
    %div3A_174 = arith.divf %slice3A_172, %slice3A_173 : vector<8x1xf32>
    %add3A_175 = arith.addf %div3A_171, %div3A_174 : vector<8x1xf32>
    %add3A_176 = arith.addf %add3A_175, %dot_general3A_147 : vector<8x1xf32>
    %add3A_177 = arith.addf %add3A_176, %dot_general3A_150 : vector<8x1xf32>
    %add3A_178 = arith.addf %add3A_177, %dot_general3A_168 : vector<8x1xf32>
    %get3A_179 = arith.constant 0 : index
    %get3A_180 = arith.constant 0 : index
    %get3A_181 = vector.load %arg19[%get3A_179, %get3A_180] : memref<1x1xf32, #tpu.memory_space<vmem>>, vector<1x1xf32>
    %add3A_182 = vector.broadcast %get3A_181 : vector<1x1xf32> to vector<8x1xf32>
    %add3A_183 = arith.addf %add3A_178, %add3A_182 : vector<8x1xf32>
    %swap3A = arith.constant 0 : index
    %swap3A_184 = arith.constant 0 : index
    %swap3A_185 = vector.load %arg20[%swap3A, %swap3A_184] : memref<8x1xf32, #tpu.memory_space<vmem>>, vector<8x1xf32>
    tpu.vector_store %arg20[%swap3A, %swap3A_184], %add3A_183 {strides = array<i32>} : memref<8x1xf32, #tpu.memory_space<vmem>>, vector<8x1xf32>,
    return
  }
  func.func @transform_0(%arg0: i32) -> (i32, i32) {
    %c0_i32 = arith.constant 0 : i32
    %c0_i32_0 = arith.constant 0 : i32
    return %arg0, %c0_i32 : i32, i32
  }
  func.func @transform_1(%arg0: i32) -> (i32, i32) {
    %c0_i32 = arith.constant 0 : i32
    %c0_i32_0 = arith.constant 0 : i32
    return %arg0, %c0_i32 : i32, i32
  }
  func.func @transform_2(%arg0: i32) -> (i32, i32) {
    %c0_i32 = arith.constant 0 : i32
    %c0_i32_0 = arith.constant 0 : i32
    return %arg0, %c0_i32 : i32, i32
  }
  func.func @transform_3(%arg0: i32) -> (i32, i32) {
    %c0_i32 = arith.constant 0 : i32
    %c0_i32_0 = arith.constant 0 : i32
    return %arg0, %c0_i32 : i32, i32
  }
  func.func @transform_4(%arg0: i32) -> (i32, i32) {
    %c0_i32 = arith.constant 0 : i32
    %c0_i32_0 = arith.constant 0 : i32
    return %arg0, %c0_i32 : i32, i32
  }
  func.func @transform_5(%arg0: i32) -> (i32, i32) {
    %c0_i32 = arith.constant 0 : i32
    %c0_i32_0 = arith.constant 0 : i32
    return %arg0, %c0_i32 : i32, i32
  }
  func.func @transform_6(%arg0: i32) -> (i32, i32) {
    %c0_i32 = arith.constant 0 : i32
    %c0_i32_0 = arith.constant 0 : i32
    return %arg0, %c0_i32 : i32, i32
  }
  func.func @transform_7(%arg0: i32) -> (i32, i32) {
    %c0_i32 = arith.constant 0 : i32
    %c0_i32_0 = arith.constant 0 : i32
    %c0_i32_1 = arith.constant 0 : i32
    return %c0_i32, %c0_i32_0 : i32, i32
  }
  func.func @transform_8(%arg0: i32) -> (i32, i32) {
    %c0_i32 = arith.constant 0 : i32
    %c0_i32_0 = arith.constant 0 : i32
    %c0_i32_1 = arith.constant 0 : i32
    return %c0_i32, %c0_i32_0 : i32, i32
  }
  func.func @transform_9(%arg0: i32) -> (i32, i32) {
    %c0_i32 = arith.constant 0 : i32
    %c0_i32_0 = arith.constant 0 : i32
    %c0_i32_1 = arith.constant 0 : i32
    return %c0_i32, %c0_i32_0 : i32, i32
  }
  func.func @transform_10(%arg0: i32) -> (i32, i32) {
    %c0_i32 = arith.constant 0 : i32
    %c0_i32_0 = arith.constant 0 : i32
    %c0_i32_1 = arith.constant 0 : i32
    return %c0_i32, %c0_i32_0 : i32, i32
  }
  func.func @transform_11(%arg0: i32) -> (i32, i32) {
    %c0_i32 = arith.constant 0 : i32
    %c0_i32_0 = arith.constant 0 : i32
    %c0_i32_1 = arith.constant 0 : i32
    return %c0_i32, %c0_i32_0 : i32, i32
  }
  func.func @transform_12(%arg0: i32) -> (i32, i32) {
    %c0_i32 = arith.constant 0 : i32
    %c0_i32_0 = arith.constant 0 : i32
    %c0_i32_1 = arith.constant 0 : i32
    return %c0_i32, %c0_i32_0 : i32, i32
  }
  func.func @transform_13(%arg0: i32) -> (i32, i32) {
    %c0_i32 = arith.constant 0 : i32
    %c0_i32_0 = arith.constant 0 : i32
    %c0_i32_1 = arith.constant 0 : i32
    return %c0_i32, %c0_i32_0 : i32, i32
  }
  func.func @transform_14(%arg0: i32) -> (i32, i32) {
    %c0_i32 = arith.constant 0 : i32
    %c0_i32_0 = arith.constant 0 : i32
    %c0_i32_1 = arith.constant 0 : i32
    return %c0_i32, %c0_i32_0 : i32, i32
  }
  func.func @transform_15(%arg0: i32) -> (i32, i32) {
    %c0_i32 = arith.constant 0 : i32
    %c0_i32_0 = arith.constant 0 : i32
    %c0_i32_1 = arith.constant 0 : i32
    return %c0_i32, %c0_i32_0 : i32, i32
  }
  func.func @transform_16(%arg0: i32) -> (i32, i32) {
    %c0_i32 = arith.constant 0 : i32
    %c0_i32_0 = arith.constant 0 : i32
    return %arg0, %c0_i32 : i32, i32
  }
  func.func @transform_17(%arg0: i32) -> (i32, i32) {
    %c0_i32 = arith.constant 0 : i32
    %c0_i32_0 = arith.constant 0 : i32
    %c0_i32_1 = arith.constant 0 : i32
    return %c0_i32, %c0_i32_0 : i32, i32
  }
  func.func @transform_18(%arg0: i32) -> (i32, i32) {
    %c0_i32 = arith.constant 0 : i32
    %c0_i32_0 = arith.constant 0 : i32
    %c0_i32_1 = arith.constant 0 : i32
    return %c0_i32, %c0_i32_0 : i32, i32
  }
  func.func @transform_19(%arg0: i32) -> (i32, i32) {
    %c0_i32 = arith.constant 0 : i32
    %c0_i32_0 = arith.constant 0 : i32
    return %arg0, %c0_i32 : i32, i32
  }
}

</mosaic_0001>

<sc_bundles>
// kernel: kernel.11.cloned.1.call-start
scs
__scs_entry_jumppad:
0x0: {  	(pc) =	sbr.rel $0x88, $3  }
0x1: {  	(tag) =	ssettag $0x0;
	lr =	simm.s32 $0x1  }
0x2: {  	[smem:$0x3F92] =	sst lr;
	_ =	strace $0xD0000000  }
0x3: {  	_ = 	snop  }
0x4: {  	_ = 	snop  }
0x5: {  	_ = 	snop  }
0x6: {  	_ = 	snop  }
0x7: {  	_ = 	snop  }
__scs_overlays_trampoline_lowered:
0x8: {  	[smem:$0x3FA1] =	sst s0  }
0x9: {  	[smem:$0x3FA2] =	sst s1  }
0xa: {  	[smem:$0x3FA3] =	sst s2  }
0xb: {  	[smem:$0x3FA4] =	sst s3  }
0xc: {  	[smem:$0x3FA5] =	sst s4  }
0xd: {  	[smem:$0x3FA6] =	sst s5  }
0xe: {  	[smem:$0x3FA7] =	sst s6  }
0xf: {  	[smem:$0x3FA8] =	sst s7  }
0x10: {  	[smem:$0x3FA9] =	sst s8  }
0x11: {  	[smem:$0x3FAA] =	sst s9;
	s0 =	simm.s32 @!p0 $0x0  }
0x12: {  	s1 =	sld [smem:$0x3F90];
	s0 =	simm.s32 @p0 $0x1  }
0x13: {  	[smem:$0x3FAB] =	sst s0;
	s0 =	simm.s32 @!p1 $0x0  }
0x14: {  	s2 =	sld [smem:$0x3F8F];
	s0 =	simm.s32 @p1 $0x1  }
0x15: {  	[smem:$0x3FAC] =	sst s0;
	s0 =	simm.s32 @!p2 $0x0  }
0x16: {  	s3 =	sld [smem:$0x3FDB];
	s0 =	simm.s32 @p2 $0x1  }
0x17: {  	s4 =	simm.s32 $0x1BF5;
	[smem:$0x3FAE] =	sst s0  }
0x18: {  	s0 =	sld [smem:$0x3F91];
	_ =	swait.ge [sflag:s4], $0x0  }
0x19: {  	s7 =	sld [smem:$0x3F92]  }
0x1a: {  	s8 =	sadd.s32 $0xFFFFE003, lr  }
0x1b: {  	s9 =	sadd.s32 $0xFFFFFEF7, lr;
	s5 =	simm.s32 $0xFFFFFFFF;
	p2 =	slt.u32 s8, $0xFFFFF086  }
0x1c: {  	p1 =	slt.u32 s9, $0xF7A;
	s5 =	simm.s32 @!p2 $0x0  }
0x1d: {  	s5 =	simm.s32 @p1 $0x1;
	p0 =	seq.s32 s7, s2  }
0x1e: {  	s7 =	smul.u32 @!p0 $0xF7A, s2;
	p2 =	seq.s32 @!p0 s5, $0x0  }
0x1f: {  	s9 =	smul.u32 $0xF7A, s1;
	s8 =	simm.s32 @!p0 $0x1BF5;
	p2 =	por !p2, p0  }
0x20: {  	[sflag:s8] =	ssyncset.s32 @!p0 $0xFFFFF086;
	s6 =	sadd.s32 @!p0 s3, s7;
	s7 =	simm.s32 @!p0 $0x108  }
0x21: {  	s3 =	sadd.s32 s3, s9;
	s6 =	sadd.s32 @!p0 $0x88, s6;
	s7 =	simm.s32 @p2 $0x1082  }
0x22: {  	[simem:s7], [sflag:s8] =	dma.local @!p0 [hbm:s6], $0xF7A  }
0x23: {  	s9 =	sor.u32 $0xD0000000, s2;
	s6 =	simm.s32 $0x108;
	_ =	swait.ge @!p0 [sflag:s8], $0x0  }
0x24: {  	s3 =	sadd.s32 $0x88, s3;
	s6 =	simm.s32 @!p1 $0x1082;
	[sflag:s4] =	ssyncset.s32 $0xFFFFF086  }
0x25: {  	[simem:s6], [sflag:s4] =	dma.local [hbm:s3], $0xF7A  }
0x26: {  	[smem:$0x3F92] =	sst s1;
	(tag) =	ssettag s2;
	_ =	strace s9  }
0x27: {  	s1 =	sld [smem:$0x3FA2]  }
0x28: {  	s2 =	sld [smem:$0x3FA3]  }
0x29: {  	s4 =	sld [smem:$0x3FA5]  }
0x2a: {  	p0 =	seq.s32 s5, $0x0;
	s5 =	sld [smem:$0x3FA6]  }
0x2b: {  	s6 =	sld [smem:$0x3FA7]  }
0x2c: {  	s7 =	sld [smem:$0x3FA8]  }
0x2d: {  	s3 =	simm.s32 $0x108;
	s8 =	sld [smem:$0x3FA9]  }
0x2e: {  	s3 =	simm.s32 @!p0 $0x1082;
	s9 =	sld [smem:$0x3FAA]  }
0x2f: {  	lr =	sadd.s32 s0, s3;
	s0 =	sld [smem:$0x3FA1]  }
0x30: {  	s3 =	sld [smem:$0x3FA4]  }
0x31: {  	[smem:$0x3FAD] =	sst s10  }
0x32: {  	s10 =	sld [smem:$0x3FAB];
	_ =	sdelay $0x3  }
0x33: {  	p0 =	seq.s32 s10, $0x1;
	s10 =	sld [smem:$0x3FAD];
	_ =	sdelay $0x3  }
0x34: {  	[smem:$0x3FAD] =	sst s10  }
0x35: {  	s10 =	sld [smem:$0x3FAC];
	_ =	sdelay $0x3  }
0x36: {  	p1 =	seq.s32 s10, $0x1;
	s10 =	sld [smem:$0x3FAD];
	_ =	sdelay $0x3  }
0x37: {  	[smem:$0x3FAD] =	sst s10  }
0x38: {  	s10 =	sld [smem:$0x3FAE]  }
0x39: {  	_ = 	snop;
	(pc) =	sbr.ind lr, $3  }
0x3a: {  	_ = 	snop  }
0x3b: {  	_ = 	snop  }
0x3c: {  	p2 =	seq.s32 s10, $0x1;
	s10 =	sld [smem:$0x3FAD]  }
0x3d: {  	_ =	shalt  }
0x3e: {  	_ =	shalt  }
0x3f: {  	_ =	shalt  }
0x40: {  	_ =	shalt  }
0x41: {  	_ =	shalt  }
0x42: {  	_ =	shalt  }
0x43: {  	_ =	shalt  }
0x44: {  	_ =	shalt  }
0x45: {  	_ =	shalt  }
0x46: {  	_ =	shalt  }
0x47: {  	_ =	shalt  }
0x48: {  	_ =	shalt  }
0x49: {  	_ =	shalt  }
0x4a: {  	_ =	shalt  }
0x4b: {  	_ =	shalt  }
0x4c: {  	_ =	shalt  }
0x4d: {  	_ =	shalt  }
0x4e: {  	_ =	shalt  }
0x4f: {  	_ =	shalt  }
0x50: {  	_ =	shalt  }
0x51: {  	_ =	shalt  }
0x52: {  	_ =	shalt  }
0x53: {  	_ =	shalt  }
0x54: {  	_ =	shalt  }
0x55: {  	_ =	shalt  }
0x56: {  	_ =	shalt  }
0x57: {  	_ =	shalt  }
0x58: {  	_ =	shalt  }
0x59: {  	_ =	shalt  }
0x5a: {  	_ =	shalt  }
0x5b: {  	_ =	shalt  }
0x5c: {  	_ =	shalt  }
0x5d: {  	_ =	shalt  }
0x5e: {  	_ =	shalt  }
0x5f: {  	_ =	shalt  }
0x60: {  	_ =	shalt  }
0x61: {  	_ =	shalt  }
0x62: {  	_ =	shalt  }
0x63: {  	_ =	shalt  }
0x64: {  	_ =	shalt  }
0x65: {  	_ =	shalt  }
0x66: {  	_ =	shalt  }
0x67: {  	_ =	shalt  }
0x68: {  	_ =	shalt  }
0x69: {  	_ =	shalt  }
0x6a: {  	_ =	shalt  }
0x6b: {  	_ =	shalt  }
0x6c: {  	_ =	shalt  }
0x6d: {  	_ =	shalt  }
0x6e: {  	_ =	shalt  }
0x6f: {  	_ =	shalt  }
0x70: {  	_ =	shalt  }
0x71: {  	_ =	shalt  }
0x72: {  	_ =	shalt  }
0x73: {  	_ =	shalt  }
0x74: {  	_ =	shalt  }
0x75: {  	_ =	shalt  }
0x76: {  	_ =	shalt  }
0x77: {  	_ =	shalt  }
0x78: {  	_ =	shalt  }
0x79: {  	_ =	shalt  }
0x7a: {  	_ =	shalt  }
0x7b: {  	_ =	shalt  }
0x7c: {  	_ =	shalt  }
0x7d: {  	_ =	shalt  }
0x7e: {  	_ =	shalt  }
0x7f: {  	_ =	shalt  }
0x80: {  	_ =	shalt  }
0x81: {  	_ =	shalt  }
0x82: {  	_ =	shalt  }
0x83: {  	_ =	shalt  }
0x84: {  	_ =	shalt  }
0x85: {  	_ =	shalt  }
0x86: {  	_ =	shalt  }
0x87: {  	_ =	shalt  }
.Lfunc_end0:
.L_simem_size_0:
called_computation.1_lowered:
.L_overlay_start_0:
0x88: {  	s2 =	sld [smem:$0x3FD9]  }
0x89: {  	s3 =	sld [smem:$0x3FFE];
	_ =	sdelay $0x1  }
0x8a: {  	s1 =	srdreg.scid  }
0x8b: {  	s0 =	sand.u32 $0x1, s1  }
0x8c: {  	s16 =	sshll.u32 s0, $0xA;
	s2 =	sadd.s32 s3, s2  }
0x8d: {  	s2 =	sadd.s32 s2, s16  }
0x8e: {  	[smem:$0x3FB9] =	sst s2  }
0x8f: {  	_ = 	snop  }
0x90: {  	(tm) =	ssettm $0x1  }
0x91: {  	s17 =	sld [smem:$0x3FFB];
	_ =	sdelay $0x3  }
0x92: {  	_ =	strace s17  }
0x93: {  	s2 =	sld [smem:$0x3FFC];
	_ =	sdelay $0x3  }
0x94: {  	_ =	strace s2  }
0x95: {  	s2 =	sld [smem:$0x3FFD];
	_ =	sdelay $0x3  }
0x96: {  	_ =	strace s2  }
0x97: {  	_ =	strace $0x8FFFFFFF  }
0x98: {  	s18 =	sld [smem:$0x3FDB];
	_ =	sdelay $0x1  }
0x99: {  	s19 =	simm.s32 $_scs_section_size  }
0x9a: {  	s4 =	simm.s32 $_size__tile_overlayer_lowered;
	s5 =	simm.s32 $_tile_overlayer_lowered  }
0x9b: {  	s22 =	simm.s32 $0x1BFF;
	s21 =	sshll.u32 s5, $0x1;
	s2 =	sadd.s32 s19, s18  }
0x9c: {  	s6 =	simm.s32 $0x0;
	s20 =	sshll.u32 s4, $0x1;
	s4 =	sadd.s32 s21, s2  }
0x9d: {  	[timem:s6], [sflag:s22] =	dma.local [hbm:s4], s20  }
0x9e: {  	_ =	swait.ge [sflag:s22], s20  }
0x9f: {  	s3 =	ssub.s32 $0x0, s20;
	[sflag:s22] =	ssyncset.done $0x0  }
0xa0: {  	[sflag:s22] =	ssyncadd.s32 s3;
	_ =	sdelay $0x1  }
0xa1: {  	s23 =	simm.s32 $0x1B8B  }
0xa2: {  	_ =	swait.ge [sflag:s23], $0x1  }
0xa3: {  	[sflag:s23] =	ssyncset.done $0x0  }
0xa4: {  	s25 =	simm.s32 $0x1B8E;
	s24 =	sld [smem:$0x3FFE];
	[sflag:s23] =	ssyncadd.s32 $0xFFFFFFFF  }
0xa5: {  	s26 =	simm.s32 $execute0_lowered;
	[smem:$0x3FD2] =	sst s25  }
0xa6: {  	s4 =	sshll.u32 s26, $0x1;
	_ =	strace $0x80000046;
	[dreg:$0x1] =	wrdreg $0xFFFFFFFF  }
0xa7: {  	s28 =	simm.s32 $_size_execute0_lowered;
	s2 =	sadd.s32 s2, s4;
	[dreg:$0x0] =	wrdreg $0x0  }
0xa8: {  	s4 =	sshll.u32 s28, $0x1;
	[dreg:$0x2] =	wrdreg s2  }
0xa9: {  	[dreg:$0x3] =	wrdreg s4  }
0xaa: {  	[dreg:$0x4] =	wrdreg $0xC0  }
0xab: {  	_ =	task [dreg:s6], $0x5FFFF  }
0xac: {  	[dreg:$0x1] =	wrdreg $0xFFFFFFFF  }
0xad: {  	[dreg:$0x0] =	wrdreg $0x60  }
0xae: {  	[dreg:$0x2] =	wrdreg s24  }
0xaf: {  	[dreg:$0x3] =	wrdreg $0x0  }
0xb0: {  	[dreg:$0x4] =	wrdreg $0xA  }
0xb1: {  	_ =	task.clear_ibuf [dreg:s6], $0x5FFFF;
	_ =	strace $0x90000046  }
0xb2: {  	s29 =	simm.s32 $0xA;
	_ =	strace $0x80000048  }
0xb3: {  	_ =	swait.ge [sflag:s29], $0x1  }
0xb4: {  	[sflag:s29] =	ssyncadd.s32 $0xFFFFFFFF  }
0xb5: {  	_ =	strace $0x90000048  }
0xb6: {  	_ =	sfence  }
0xb7: {  	s30 =	sld [smem:$0x0];
	_ =	sdelay $0x2  }
0xb8: {  	s31 =	sshll.u32 s1, $0xD;
	s1 =	sshrl.u32 s1, $0x2  }
0xb9: {  	s3 =	sand.u32 $0x4000, s31;
	s1 =	sadd.s32 s1, s30  }
0xba: {  	s0 =	sor.u32 s3, s0;
	s1 =	sshll.u32 s1, $0x11  }
0xbb: {  	s0 =	sor.u32 s1, s0  }
0xbc: {  	s0 =	sadd.s32 $0x8F2B, s0  }
0xbd: {  	[sflag:s0] =	ssyncadd.remote.s32 $0x1  }
0xbe: {  	_ =	sfence.sel $0xFFFF  }
0xbf: {  	[dreg:$0x0] =	wrdreg $0xFFFFFFFF;
	(pc) =	sbr.abs _section_cstart, $3  }
0xc0: {  	[dreg:$0x1] =	wrdreg $0xFFFFFFFF  }
0xc1: {  	_ =	task.clear_ibuf [dreg:s6], $0x2FFFF;
	_ =	strace $0x9FFFFFFF  }
0xc2: {  	(tm) =	ssettm $0x7FFFFFFF  }
0xc3: {  	_ =	shalt  }
tec
execute0_lowered:
.L_overlay_start_1:
0x0: {  	(tag) =	ssettag $0x1  }
0x1: {  	s0 =	rddreg [dreg:$0x0]  }
0x2: {  	s1 =	rddreg [dreg:$0x1];
	s2 =	srdreg.scid;
	s3 =	simm.s32 $0x0  }
0x3: {  	s12 =	stileid.u32;
	s28 =	simm.s32 $0x17E00;
	s29 =	simm.s32 $0x4  }
0x4: {  	s30 =	simm.s32 $0x5;
	s31 =	simm.s32 $0x6;
	s2 =	sand.u32 $0x1, s2  }
0x5: {  	[smem:$0x7FF] =	sst s3;
	s7 =	smul.u32 $0x13C00, s12;
	s4 =	sadd.s32 $0x2A5A00, s0  }
0x6: {  	s5 =	sadd.s32 $0xD800, s0;
	s9 =	sadd.s32 $0x21800, s0;
	s15 =	smul.u32 $0x4F000, s12  }
0x7: {  	s11 =	sshll.u32 s12, $0x7;
	s19 =	sshll.u32 s12, $0x6;
	s6 =	smul.u32 $0x13C000, s2  }
0x8: {  	_ =	strace $0x80000047;
	s8 =	sshll.u32 s2, $0x4;
	[dreg:$0x4] =	wrdreg s9  }
0x9: {  	s2 =	ssub.s32 $0x2, s2;
	s18 =	sand.u32 $0x380, s11;
	s14 =	sor.u32 s12, s8  }
0xa: {  	s10 =	sshrl.u32 s2, $0x1;
	s17 =	sshrl.u32 s15, $0x2;
	s7 =	sadd.s32 s7, s6  }
0xb: {  	s6 =	sadd.s32 $0x17800, s0;
	s16 =	sshrl.u32 s14, $0x3;
	s2 =	ssub.s32 s2, s10  }
0xc: {  	s8 =	smul.u32 $0x2800, s14;
	s17 =	sadd.s32 s17, s1;
	s7 =	sshrl.u32 s7, $0x3  }
0xd: {  	s9 =	smul.u32 $0x14000, s16;
	s2 =	smax.u32 s2, $0x1;
	s17 =	sshrl.u32 s17, $0x3  }
0xe: {  	s0 =	sadd.s32 s7, s0;
	s22 =	sshrl.u32 s8, $0x3;
	[dreg:$0x9] =	wrdreg s2  }
0xf: {  	s16 =	sor.u32 s18, s9;
	s9 =	sor.u32 $0x1C03, s19;
	s12 =	sadd.s32 s6, s22  }
0x10: {  	s0 =	sadd.s32 $0x24000, s0;
	s18 =	simm.s32 $0x3;
	s19 =	simm.s32 $0x13C00  }
0x11: {  	s22 =	simm.s32 $0x13D80;
	s20 =	sshrl.u32 s16, $0x3;
	s23 =	sor.u32 $0xC00, s16  }
0x12: {  	s25 =	sadd.s32 $0x10, s12;
	[dreg:$0x8] =	wrdreg s0;
	s7 =	sor.u32 $0x800, s16  }
0x13: {  	s0 =	simm.s32 $0x0;
	s21 =	sadd.s32 s5, s20;
	s24 =	sshrl.u32 s23, $0x3  }
0x14: {  	[dreg:$0x7] =	wrdreg s25;
	s20 =	simm.s32 $0x13C80;
	s23 =	simm.s32 $0x1  }
0x15: {  	s25 =	simm.s32 $0x13E00;
	[dreg:$0x5] =	wrdreg s21;
	s10 =	sadd.s32 $0x80, s21  }
0x16: {  	s26 =	sadd.s32 s24, s5;
	s21 =	simm.s32 $0x13D00;
	[dreg:$0x6] =	wrdreg s10  }
0x17: {  	s24 =	simm.s32 $0x80;
	[dreg:$0x3] =	wrdreg s26;
	s26 =	simm.s32 $0x2  }
.LBB2_1:
0x18: {  	s2 =	rddreg [dreg:$0x4]  }
0x19: {  	[spmem:s17], [sflag:s9] =	dma.local [hbm:s2], $0x2780  }
0x1a: {  	_ =	swait.ge [sflag:s18], $0x2780  }
0x1b: {  	[sflag:s18] =	ssyncset.done $0x0  }
0x1c: {  	[sflag:s18] =	ssyncadd.s32 $0xFFFFD880  }
0x1d: {  	[bflag:$0x0] =	sbarrier.arrive $0xFFFF  }
0x1e: {  	s15 =	rddreg [dreg:$0x5]  }
0x1f: {  	[tilespmem:s19], [sflag:$0x1] =	stream.linear.gather [hbm4b:s15+s3], $0x80, $0x38;
	[tilespmem:$0x1BE00] =	vst v63  }
0x20: {  	s16 =	rddreg [dreg:$0x6]  }
0x21: {  	[tilespmem:s20], [sflag:$0x2] =	stream.linear.gather [hbm4b:s16+s3], $0x80, $0x38;
	[tilespmem:$0x1BE00] =	vst v63  }
0x22: {  	_ = 	snop  }
0x23: {  	[tilespmem:s21], [sflag:$0x1] =	stream.linear.gather [hbm4b:s12+s3], $0x80, $0x38;
	[tilespmem:$0x1BE00] =	vst v63  }
0x24: {  	s10 =	rddreg [dreg:$0x7]  }
0x25: {  	[tilespmem:s22], [sflag:$0x2] =	stream.linear.gather [hbm4b:s10+s3], $0x80, $0x38;
	[tilespmem:$0x1BE00] =	vst v63  }
0x26: {  	_ =	swait.ge [sflag:s23], $0x80  }
0x27: {  	[sflag:s23] =	ssyncset.done $0x0  }
0x28: {  	[sflag:s23] =	ssyncadd.s32 $0xFFFFFF80  }
0x29: {  	_ =	swait.ge [sflag:s23], $0x80  }
0x2a: {  	[sflag:s23] =	ssyncset.done $0x0  }
0x2b: {  	[sflag:s23] =	ssyncadd.s32 $0xFFFFFF80  }
0x2c: {  	[tilespmem:s25], [sflag:$0x3] =	stream.indirect.gather [hbm4b:s4+s24], $0x80, s19, s24, $0xb8;
	[tilespmem:$0x1BE00] =	vst v63  }
0x2d: {  	_ =	swait.ge [sflag:s26], $0x80  }
0x2e: {  	[sflag:s26] =	ssyncset.done $0x0  }
0x2f: {  	[sflag:s26] =	ssyncadd.s32 $0xFFFFFF80  }
0x30: {  	_ =	swait.ge [sflag:s26], $0x80  }
0x31: {  	[sflag:s26] =	ssyncset.done $0x0  }
0x32: {  	[sflag:s26] =	ssyncadd.s32 $0xFFFFFF80  }
0x33: {  	[tilespmem:s28], [sflag:$0x4] =	stream.indirect.gather [hbm4b:s4+s24], $0x80, s20, s24, $0xb8;
	[tilespmem:$0x1BE00] =	vst v63  }
0x34: {  	_ =	swait.ge [sflag:s18], $0x4000  }
0x35: {  	[sflag:s18] =	ssyncset.done $0x0  }
0x36: {  	s11 =	sshrl.u32 s7, $0x3;
	[sflag:s18] =	ssyncadd.s32 $0xFFFFC000  }
0x37: {  	[spmem:s1] =	stream.indirect.scatter.add.f32 [tilespmem:s25], [sflag:$0x5], $0x80, s21, s24, $0xb8;
	[tilespmem:$0x1BE00] =	vst v63  }
0x38: {  	s2 =	sadd.s32 s5, s11  }
0x39: {  	[tilespmem:s19], [sflag:$0x1] =	stream.linear.gather [hbm4b:s2+s3], $0x80, $0x38;
	[tilespmem:$0x1BE00] =	vst v63  }
0x3a: {  	s14 =	simm.s32 $0x180;
	_ =	swait.ge [sflag:s29], $0x4000  }
0x3b: {  	s11 =	simm.s32 $0x100;
	[sflag:s29] =	ssyncset.done $0x0;
	s13 =	rddreg [dreg:$0x3]  }
0x3c: {  	s16 =	sand.u32 $0x7C00, s11;
	[sflag:s29] =	ssyncadd.s32 $0xFFFFC000;
	s2 =	sadd.s32 $0x180, s13  }
0x3d: {  	[spmem:s1] =	stream.indirect.scatter.add.f32 [tilespmem:s28], [sflag:$0x6], $0x80, s22, s24, $0xb8;
	[tilespmem:$0x1BE00] =	vst v63  }
0x3e: {  	s11 =	sand.u32 $0x300, s11;
	s16 =	sadd.s32 s8, s16;
	s2 =	sadd.s32 $0xFFFFFE80, s2  }
0x3f: {  	[tilespmem:s20], [sflag:$0x2] =	stream.linear.gather [hbm4b:s2+s3], $0x80, $0x38;
	[tilespmem:$0x1BE00] =	vst v63  }
0x40: {  	s15 =	sand.u32 $0x380, s14;
	s11 =	sor.u32 s11, s16;
	_ =	swait.ge [sflag:s30], $0x4000  }
0x41: {  	s11 =	sshrl.u32 s11, $0x3;
	s2 =	sand.u32 $0x7C00, s14;
	[sflag:s30] =	ssyncset.done $0x0  }
0x42: {  	s11 =	sadd.s32 s6, s11;
	s2 =	sadd.s32 s8, s2;
	[sflag:s30] =	ssyncadd.s32 $0xFFFFC000  }
0x43: {  	[tilespmem:s21], [sflag:$0x1] =	stream.linear.gather [hbm4b:s11+s3], $0x80, $0x38;
	[tilespmem:$0x1BE00] =	vst v63  }
0x44: {  	s16 =	sor.u32 s15, s2;
	s2 =	simm.s32 $0x280;
	_ =	swait.ge [sflag:s31], $0x4000  }
0x45: {  	s11 =	sshrl.u32 s16, $0x3;
	s16 =	smov.u32 s7;
	[sflag:s31] =	ssyncset.done $0x0  }
.LBB2_2:
0x46: {  	[sflag:s31] =	ssyncadd.s32 $0xFFFFC000;
	s13 =	sadd.s32 s6, s11  }
0x47: {  	[tilespmem:s22], [sflag:$0x2] =	stream.linear.gather [hbm4b:s13+s3], $0x80, $0x38;
	[tilespmem:$0x1BE00] =	vst v63  }
0x48: {  	_ =	swait.ge [sflag:s23], $0x80  }
0x49: {  	[sflag:s23] =	ssyncset.done $0x0  }
0x4a: {  	[sflag:s23] =	ssyncadd.s32 $0xFFFFFF80  }
0x4b: {  	_ =	swait.ge [sflag:s23], $0x80  }
0x4c: {  	[sflag:s23] =	ssyncset.done $0x0  }
0x4d: {  	[sflag:s23] =	ssyncadd.s32 $0xFFFFFF80  }
0x4e: {  	[tilespmem:s25], [sflag:$0x3] =	stream.indirect.gather [hbm4b:s4+s24], $0x80, s19, s24, $0xb8;
	[tilespmem:$0x1BE00] =	vst v63  }
0x4f: {  	_ =	swait.ge [sflag:s26], $0x80  }
0x50: {  	[sflag:s26] =	ssyncset.done $0x0  }
0x51: {  	[sflag:s26] =	ssyncadd.s32 $0xFFFFFF80  }
0x52: {  	_ =	swait.ge [sflag:s26], $0x80  }
0x53: {  	[sflag:s26] =	ssyncset.done $0x0  }
0x54: {  	[sflag:s26] =	ssyncadd.s32 $0xFFFFFF80  }
0x55: {  	[tilespmem:s28], [sflag:$0x4] =	stream.indirect.gather [hbm4b:s4+s24], $0x80, s20, s24, $0xb8;
	[tilespmem:$0x1BE00] =	vst v63  }
0x56: {  	_ =	swait.ge [sflag:s18], $0x4000  }
0x57: {  	s16 =	sadd.s32 $0x800, s16;
	[sflag:s18] =	ssyncset.done $0x0  }
0x58: {  	s15 =	sshrl.u32 s16, $0x3;
	[sflag:s18] =	ssyncadd.s32 $0xFFFFC000  }
0x59: {  	[spmem:s1] =	stream.indirect.scatter.add.f32 [tilespmem:s25], [sflag:$0x5], $0x80, s21, s24, $0xb8;
	[tilespmem:$0x1BE00] =	vst v63  }
0x5a: {  	s11 =	smov.u32 s2;
	s13 =	sadd.s32 s5, s15  }
0x5b: {  	[tilespmem:s19], [sflag:$0x1] =	stream.linear.gather [hbm4b:s13+s3], $0x80, $0x38;
	[tilespmem:$0x1BE00] =	vst v63  }
0x5c: {  	p0 =	sne.s32 s2, $0x2780;
	s14 =	sadd.s32 $0xFFFFFF80, s11;
	_ =	swait.ge [sflag:s29], $0x4000  }
0x5d: {  	s15 =	sand.u32 $0x380, s11;
	[sflag:s29] =	ssyncset.done $0x0;
	s10 =	rddreg [dreg:$0x3]  }
0x5e: {  	[sflag:s29] =	ssyncadd.s32 $0xFFFFC000;
	s13 =	sadd.s32 s11, s10;
	s10 =	sand.u32 $0x7C00, s14  }
0x5f: {  	[spmem:s1] =	stream.indirect.scatter.add.f32 [tilespmem:s28], [sflag:$0x6], $0x80, s22, s24, $0xb8;
	[tilespmem:$0x1BE00] =	vst v63  }
0x60: {  	s14 =	sand.u32 $0x300, s14;
	s13 =	sadd.s32 $0xFFFFFE80, s13;
	s10 =	sadd.s32 s8, s10  }
0x61: {  	[tilespmem:s20], [sflag:$0x2] =	stream.linear.gather [hbm4b:s13+s3], $0x80, $0x38;
	[tilespmem:$0x1BE00] =	vst v63  }
0x62: {  	s11 =	sand.u32 $0x7C00, s11;
	s10 =	sor.u32 s14, s10;
	_ =	swait.ge [sflag:s30], $0x4000  }
.Ltmp0:
0x63: {  	s10 =	sshrl.u32 s10, $0x3;
	[sflag:s30] =	ssyncset.done $0x0;
	(pc) =	sbr.rel @p0 .LBB2_2-.Ltmp0, $4  }
0x64: {  	s11 =	sadd.s32 s8, s11;
	s10 =	sadd.s32 s6, s10;
	[sflag:s30] =	ssyncadd.s32 $0xFFFFC000  }
0x65: {  	[tilespmem:s21], [sflag:$0x1] =	stream.linear.gather [hbm4b:s10+s3], $0x80, $0x38;
	[tilespmem:$0x1BE00] =	vst v63  }
0x66: {  	s15 =	sor.u32 s15, s11;
	_ =	swait.ge [sflag:s31], $0x4000  }
0x67: {  	s2 =	sadd.s32 $0x100, s2;
	s11 =	sshrl.u32 s15, $0x3;
	[sflag:s31] =	ssyncset.done $0x0  }
0x68: {  	[sflag:s31] =	ssyncadd.s32 $0xFFFFC000;
	s2 =	sadd.s32 s6, s11  }
0x69: {  	[tilespmem:s22], [sflag:$0x2] =	stream.linear.gather [hbm4b:s2+s3], $0x80, $0x38;
	[tilespmem:$0x1BE00] =	vst v63  }
0x6a: {  	_ =	swait.ge [sflag:s23], $0x80  }
0x6b: {  	[sflag:s23] =	ssyncset.done $0x0  }
0x6c: {  	[sflag:s23] =	ssyncadd.s32 $0xFFFFFF80  }
0x6d: {  	_ =	swait.ge [sflag:s23], $0x80  }
0x6e: {  	[sflag:s23] =	ssyncset.done $0x0  }
0x6f: {  	[sflag:s23] =	ssyncadd.s32 $0xFFFFFF80  }
0x70: {  	[tilespmem:s25], [sflag:$0x3] =	stream.indirect.gather [hbm4b:s4+s24], $0x80, s19, s24, $0xb8;
	[tilespmem:$0x1BE00] =	vst v63  }
0x71: {  	_ =	swait.ge [sflag:s26], $0x80  }
0x72: {  	[sflag:s26] =	ssyncset.done $0x0  }
0x73: {  	[sflag:s26] =	ssyncadd.s32 $0xFFFFFF80  }
0x74: {  	_ =	swait.ge [sflag:s26], $0x80  }
0x75: {  	[sflag:s26] =	ssyncset.done $0x0  }
0x76: {  	[sflag:s26] =	ssyncadd.s32 $0xFFFFFF80  }
0x77: {  	[tilespmem:s28], [sflag:$0x4] =	stream.indirect.gather [hbm4b:s4+s24], $0x80, s20, s24, $0xb8;
	[tilespmem:$0x1BE00] =	vst v63  }
0x78: {  	_ =	swait.ge [sflag:s18], $0x4000  }
0x79: {  	[sflag:s18] =	ssyncset.done $0x0  }
0x7a: {  	[sflag:s18] =	ssyncadd.s32 $0xFFFFC000  }
0x7b: {  	[spmem:s1] =	stream.indirect.scatter.add.f32 [tilespmem:s25], [sflag:$0x5], $0x80, s21, s24, $0xb8;
	[tilespmem:$0x1BE00] =	vst v63  }
0x7c: {  	_ =	swait.ge [sflag:s29], $0x4000  }
0x7d: {  	[sflag:s29] =	ssyncset.done $0x0  }
0x7e: {  	[sflag:s29] =	ssyncadd.s32 $0xFFFFC000  }
0x7f: {  	[spmem:s1] =	stream.indirect.scatter.add.f32 [tilespmem:s28], [sflag:$0x6], $0x80, s22, s24, $0xb8;
	[tilespmem:$0x1BE00] =	vst v63  }
0x80: {  	_ =	swait.ge [sflag:s30], $0x4000  }
0x81: {  	[sflag:s30] =	ssyncset.done $0x0  }
0x82: {  	[sflag:s30] =	ssyncadd.s32 $0xFFFFC000  }
0x83: {  	_ =	swait.ge [sflag:s31], $0x4000  }
0x84: {  	[sflag:s31] =	ssyncset.done $0x0  }
0x85: {  	[sflag:s31] =	ssyncadd.s32 $0xFFFFC000  }
0x86: {  	[bflag:$0x0] =	sbarrier.arrive $0xFFFF  }
0x87: {  	s15 =	rddreg [dreg:$0x8]  }
0x88: {  	[hbm:s15], [sflag:s9] =	dma.local [spmem:s17], $0x2780  }
0x89: {  	_ =	swait.ge [sflag:s18], $0x2780  }
0x8a: {  	s0 =	sadd.s32 $0x1, s0;
	s16 =	rddreg [dreg:$0x9]  }
0x8b: {  	p0 =	sne.s32 s0, s16  }
.Ltmp1:
0x8c: {  	_ = 	snop;
	(pc) =	sbr.rel @p0 .LBB2_1-.Ltmp1, $3  }
0x8d: {  	_ =	sdelay $0x1  }
0x8e: {  	[sflag:s18] =	ssyncset.done $0x0  }
0x8f: {  	[sflag:s18] =	ssyncadd.s32 $0xFFFFD880  }
0x90: {  	_ =	sfence.sel $0x180000  }
0x91: {  	[bflag:$0x0] =	sbarrier.arrive $0xFFFF  }
0x92: {  	_ =	strace $0x90000047  }
0x93: {  	s0 =	stileid.u32;
	[bflag:$0x2] =	sbarrier.arrive $0xFFFF  }
0x94: {  	p0 =	sne.s32 s0, $0x0;
	s0 =	rddreg [dreg:$0x2]  }
0x95: {  	s0 =	sadd.s32 @!p0 $0x100000, s0  }
0x96: {  	[sflag:s0] =	ssyncadd.tile.s32 @!p0 $0x1;
	_ =	shalt  }
.Lfunc_end2:
_tile_overlayer_lowered:
.L_overlay_start_2:
0x97: {  	(tag) =	ssettag $0x2  }
0x98: {  	s0 =	rddreg [dreg:$0x0];
	s2 =	stileid.u32  }
0x99: {  	s1 =	rddreg [dreg:$0x1];
	p0 =	sne.s32 s2, $0x0  }
0x9a: {  	s3 =	rddreg [dreg:$0x2];
	[bflag:$0x3] =	sbarrier.arrive $0xFFFF;
	s2 =	simm.s32 @!p0 $0x1C07  }
0x9b: {  	[timem:s3], [sflag:s2] =	dma.local @!p0 [hbm:s0], s1  }
0x9c: {  	s0 =	simm.s32 @!p0 $0x7  }
0x9d: {  	_ =	swait.ge @!p0 [sflag:s0], s1  }
0x9e: {  	s1 =	ssub.s32 @!p0 $0x0, s1;
	[sflag:s0] =	ssyncset.done @!p0 $0x0  }
0x9f: {  	[sflag:s0] =	ssyncadd.s32 @!p0 s1  }
0xa0: {  	[bflag:$0x3] =	sbarrier.arrive $0xFFFF  }
0xa1: {  	_ =	shalt  }

// kernel: kernel.14.cloned.1.call-start
scs
__scs_entry_jumppad:
0x0: {  	(pc) =	sbr.rel $0x88, $3  }
0x1: {  	(tag) =	ssettag $0x0;
	lr =	simm.s32 $0x1  }
0x2: {  	[smem:$0x3F92] =	sst lr;
	_ =	strace $0xD0000000  }
0x3: {  	_ = 	snop  }
0x4: {  	_ = 	snop  }
0x5: {  	_ = 	snop  }
0x6: {  	_ = 	snop  }
0x7: {  	_ = 	snop  }
__scs_overlays_trampoline_lowered:
0x8: {  	[smem:$0x3FA1] =	sst s0  }
0x9: {  	[smem:$0x3FA2] =	sst s1  }
0xa: {  	[smem:$0x3FA3] =	sst s2  }
0xb: {  	[smem:$0x3FA4] =	sst s3  }
0xc: {  	[smem:$0x3FA5] =	sst s4  }
0xd: {  	[smem:$0x3FA6] =	sst s5  }
0xe: {  	[smem:$0x3FA7] =	sst s6  }
0xf: {  	[smem:$0x3FA8] =	sst s7  }
0x10: {  	[smem:$0x3FA9] =	sst s8  }
0x11: {  	[smem:$0x3FAA] =	sst s9;
	s0 =	simm.s32 @!p0 $0x0  }
0x12: {  	s1 =	sld [smem:$0x3F90];
	s0 =	simm.s32 @p0 $0x1  }
0x13: {  	[smem:$0x3FAB] =	sst s0;
	s0 =	simm.s32 @!p1 $0x0  }
0x14: {  	s2 =	sld [smem:$0x3F8F];
	s0 =	simm.s32 @p1 $0x1  }
0x15: {  	[smem:$0x3FAC] =	sst s0;
	s0 =	simm.s32 @!p2 $0x0  }
0x16: {  	s3 =	sld [smem:$0x3FDB];
	s0 =	simm.s32 @p2 $0x1  }
0x17: {  	s4 =	simm.s32 $0x1BF5;
	[smem:$0x3FAE] =	sst s0  }
0x18: {  	s0 =	sld [smem:$0x3F91];
	_ =	swait.ge [sflag:s4], $0x0  }
0x19: {  	s7 =	sld [smem:$0x3F92]  }
0x1a: {  	s8 =	sadd.s32 $0xFFFFE003, lr  }
0x1b: {  	s9 =	sadd.s32 $0xFFFFFEF7, lr;
	s5 =	simm.s32 $0xFFFFFFFF;
	p2 =	slt.u32 s8, $0xFFFFF086  }
0x1c: {  	p1 =	slt.u32 s9, $0xF7A;
	s5 =	simm.s32 @!p2 $0x0  }
0x1d: {  	s5 =	simm.s32 @p1 $0x1;
	p0 =	seq.s32 s7, s2  }
0x1e: {  	s7 =	smul.u32 @!p0 $0xF7A, s2;
	p2 =	seq.s32 @!p0 s5, $0x0  }
0x1f: {  	s9 =	smul.u32 $0xF7A, s1;
	s8 =	simm.s32 @!p0 $0x1BF5;
	p2 =	por !p2, p0  }
0x20: {  	[sflag:s8] =	ssyncset.s32 @!p0 $0xFFFFF086;
	s6 =	sadd.s32 @!p0 s3, s7;
	s7 =	simm.s32 @!p0 $0x108  }
0x21: {  	s3 =	sadd.s32 s3, s9;
	s6 =	sadd.s32 @!p0 $0x88, s6;
	s7 =	simm.s32 @p2 $0x1082  }
0x22: {  	[simem:s7], [sflag:s8] =	dma.local @!p0 [hbm:s6], $0xF7A  }
0x23: {  	s9 =	sor.u32 $0xD0000000, s2;
	s6 =	simm.s32 $0x108;
	_ =	swait.ge @!p0 [sflag:s8], $0x0  }
0x24: {  	s3 =	sadd.s32 $0x88, s3;
	s6 =	simm.s32 @!p1 $0x1082;
	[sflag:s4] =	ssyncset.s32 $0xFFFFF086  }
0x25: {  	[simem:s6], [sflag:s4] =	dma.local [hbm:s3], $0xF7A  }
0x26: {  	[smem:$0x3F92] =	sst s1;
	(tag) =	ssettag s2;
	_ =	strace s9  }
0x27: {  	s1 =	sld [smem:$0x3FA2]  }
0x28: {  	s2 =	sld [smem:$0x3FA3]  }
0x29: {  	s4 =	sld [smem:$0x3FA5]  }
0x2a: {  	p0 =	seq.s32 s5, $0x0;
	s5 =	sld [smem:$0x3FA6]  }
0x2b: {  	s6 =	sld [smem:$0x3FA7]  }
0x2c: {  	s7 =	sld [smem:$0x3FA8]  }
0x2d: {  	s3 =	simm.s32 $0x108;
	s8 =	sld [smem:$0x3FA9]  }
0x2e: {  	s3 =	simm.s32 @!p0 $0x1082;
	s9 =	sld [smem:$0x3FAA]  }
0x2f: {  	lr =	sadd.s32 s0, s3;
	s0 =	sld [smem:$0x3FA1]  }
0x30: {  	s3 =	sld [smem:$0x3FA4]  }
0x31: {  	[smem:$0x3FAD] =	sst s10  }
0x32: {  	s10 =	sld [smem:$0x3FAB];
	_ =	sdelay $0x3  }
0x33: {  	p0 =	seq.s32 s10, $0x1;
	s10 =	sld [smem:$0x3FAD];
	_ =	sdelay $0x3  }
0x34: {  	[smem:$0x3FAD] =	sst s10  }
0x35: {  	s10 =	sld [smem:$0x3FAC];
	_ =	sdelay $0x3  }
0x36: {  	p1 =	seq.s32 s10, $0x1;
	s10 =	sld [smem:$0x3FAD];
	_ =	sdelay $0x3  }
0x37: {  	[smem:$0x3FAD] =	sst s10  }
0x38: {  	s10 =	sld [smem:$0x3FAE]  }
0x39: {  	_ = 	snop;
	(pc) =	sbr.ind lr, $3  }
0x3a: {  	_ = 	snop  }
0x3b: {  	_ = 	snop  }
0x3c: {  	p2 =	seq.s32 s10, $0x1;
	s10 =	sld [smem:$0x3FAD]  }
0x3d: {  	_ =	shalt  }
0x3e: {  	_ =	shalt  }
0x3f: {  	_ =	shalt  }
0x40: {  	_ =	shalt  }
0x41: {  	_ =	shalt  }
0x42: {  	_ =	shalt  }
0x43: {  	_ =	shalt  }
0x44: {  	_ =	shalt  }
0x45: {  	_ =	shalt  }
0x46: {  	_ =	shalt  }
0x47: {  	_ =	shalt  }
0x48: {  	_ =	shalt  }
0x49: {  	_ =	shalt  }
0x4a: {  	_ =	shalt  }
0x4b: {  	_ =	shalt  }
0x4c: {  	_ =	shalt  }
0x4d: {  	_ =	shalt  }
0x4e: {  	_ =	shalt  }
0x4f: {  	_ =	shalt  }
0x50: {  	_ =	shalt  }
0x51: {  	_ =	shalt  }
0x52: {  	_ =	shalt  }
0x53: {  	_ =	shalt  }
0x54: {  	_ =	shalt  }
0x55: {  	_ =	shalt  }
0x56: {  	_ =	shalt  }
0x57: {  	_ =	shalt  }
0x58: {  	_ =	shalt  }
0x59: {  	_ =	shalt  }
0x5a: {  	_ =	shalt  }
0x5b: {  	_ =	shalt  }
0x5c: {  	_ =	shalt  }
0x5d: {  	_ =	shalt  }
0x5e: {  	_ =	shalt  }
0x5f: {  	_ =	shalt  }
0x60: {  	_ =	shalt  }
0x61: {  	_ =	shalt  }
0x62: {  	_ =	shalt  }
0x63: {  	_ =	shalt  }
0x64: {  	_ =	shalt  }
0x65: {  	_ =	shalt  }
0x66: {  	_ =	shalt  }
0x67: {  	_ =	shalt  }
0x68: {  	_ =	shalt  }
0x69: {  	_ =	shalt  }
0x6a: {  	_ =	shalt  }
0x6b: {  	_ =	shalt  }
0x6c: {  	_ =	shalt  }
0x6d: {  	_ =	shalt  }
0x6e: {  	_ =	shalt  }
0x6f: {  	_ =	shalt  }
0x70: {  	_ =	shalt  }
0x71: {  	_ =	shalt  }
0x72: {  	_ =	shalt  }
0x73: {  	_ =	shalt  }
0x74: {  	_ =	shalt  }
0x75: {  	_ =	shalt  }
0x76: {  	_ =	shalt  }
0x77: {  	_ =	shalt  }
0x78: {  	_ =	shalt  }
0x79: {  	_ =	shalt  }
0x7a: {  	_ =	shalt  }
0x7b: {  	_ =	shalt  }
0x7c: {  	_ =	shalt  }
0x7d: {  	_ =	shalt  }
0x7e: {  	_ =	shalt  }
0x7f: {  	_ =	shalt  }
0x80: {  	_ =	shalt  }
0x81: {  	_ =	shalt  }
0x82: {  	_ =	shalt  }
0x83: {  	_ =	shalt  }
0x84: {  	_ =	shalt  }
0x85: {  	_ =	shalt  }
0x86: {  	_ =	shalt  }
0x87: {  	_ =	shalt  }
.Lfunc_end0:
.L_simem_size_0:
called_computation.2_lowered:
.L_overlay_start_0:
0x88: {  	s2 =	sld [smem:$0x3FD9]  }
0x89: {  	s3 =	sld [smem:$0x3FFE];
	_ =	sdelay $0x1  }
0x8a: {  	s1 =	srdreg.scid  }
0x8b: {  	s0 =	sand.u32 $0x1, s1  }
0x8c: {  	s16 =	sshll.u32 s0, $0xA;
	s2 =	sadd.s32 s3, s2  }
0x8d: {  	s2 =	sadd.s32 s2, s16  }
0x8e: {  	[smem:$0x3FB9] =	sst s2  }
0x8f: {  	_ = 	snop  }
0x90: {  	(tm) =	ssettm $0x1  }
0x91: {  	s17 =	sld [smem:$0x3FFB];
	_ =	sdelay $0x3  }
0x92: {  	_ =	strace s17  }
0x93: {  	s2 =	sld [smem:$0x3FFC];
	_ =	sdelay $0x3  }
0x94: {  	_ =	strace s2  }
0x95: {  	s2 =	sld [smem:$0x3FFD];
	_ =	sdelay $0x3  }
0x96: {  	_ =	strace s2  }
0x97: {  	_ =	strace $0x8FFFFFFF  }
0x98: {  	s18 =	sld [smem:$0x3FDB];
	_ =	sdelay $0x1  }
0x99: {  	s19 =	simm.s32 $_scs_section_size  }
0x9a: {  	s4 =	simm.s32 $_size__tile_overlayer_lowered;
	s5 =	simm.s32 $_tile_overlayer_lowered  }
0x9b: {  	s22 =	simm.s32 $0x1BFF;
	s21 =	sshll.u32 s5, $0x1;
	s2 =	sadd.s32 s19, s18  }
0x9c: {  	s6 =	simm.s32 $0x0;
	s20 =	sshll.u32 s4, $0x1;
	s4 =	sadd.s32 s21, s2  }
0x9d: {  	[timem:s6], [sflag:s22] =	dma.local [hbm:s4], s20  }
0x9e: {  	_ =	swait.ge [sflag:s22], s20  }
0x9f: {  	s3 =	ssub.s32 $0x0, s20;
	[sflag:s22] =	ssyncset.done $0x0  }
0xa0: {  	[sflag:s22] =	ssyncadd.s32 s3;
	_ =	sdelay $0x1  }
0xa1: {  	s23 =	simm.s32 $0x1B8B  }
0xa2: {  	_ =	swait.ge [sflag:s23], $0x1  }
0xa3: {  	[sflag:s23] =	ssyncset.done $0x0  }
0xa4: {  	s25 =	simm.s32 $0x1B8E;
	s24 =	sld [smem:$0x3FFE];
	[sflag:s23] =	ssyncadd.s32 $0xFFFFFFFF  }
0xa5: {  	s26 =	simm.s32 $execute0_lowered;
	[smem:$0x3FD2] =	sst s25  }
0xa6: {  	s4 =	sshll.u32 s26, $0x1;
	_ =	strace $0x8000004C;
	[dreg:$0x1] =	wrdreg $0xFFFFFFFF  }
0xa7: {  	s28 =	simm.s32 $_size_execute0_lowered;
	s2 =	sadd.s32 s2, s4;
	[dreg:$0x0] =	wrdreg $0x0  }
0xa8: {  	s4 =	sshll.u32 s28, $0x1;
	[dreg:$0x2] =	wrdreg s2  }
0xa9: {  	[dreg:$0x3] =	wrdreg s4  }
0xaa: {  	[dreg:$0x4] =	wrdreg $0xC0  }
0xab: {  	_ =	task [dreg:s6], $0x5FFFF  }
0xac: {  	[dreg:$0x1] =	wrdreg $0xFFFFFFFF  }
0xad: {  	[dreg:$0x0] =	wrdreg $0x60  }
0xae: {  	[dreg:$0x2] =	wrdreg s24  }
0xaf: {  	[dreg:$0x3] =	wrdreg $0x0  }
0xb0: {  	[dreg:$0x4] =	wrdreg $0x9  }
0xb1: {  	_ =	task.clear_ibuf [dreg:s6], $0x5FFFF;
	_ =	strace $0x9000004C  }
0xb2: {  	s29 =	simm.s32 $0x9;
	_ =	strace $0x8000004E  }
0xb3: {  	_ =	swait.ge [sflag:s29], $0x1  }
0xb4: {  	[sflag:s29] =	ssyncadd.s32 $0xFFFFFFFF  }
0xb5: {  	_ =	strace $0x9000004E  }
0xb6: {  	_ =	sfence  }
0xb7: {  	s30 =	sld [smem:$0x0];
	_ =	sdelay $0x2  }
0xb8: {  	s31 =	sshll.u32 s1, $0xD;
	s1 =	sshrl.u32 s1, $0x2  }
0xb9: {  	s3 =	sand.u32 $0x4000, s31;
	s1 =	sadd.s32 s1, s30  }
0xba: {  	s0 =	sor.u32 s3, s0;
	s1 =	sshll.u32 s1, $0x11  }
0xbb: {  	s0 =	sor.u32 s1, s0  }
0xbc: {  	s0 =	sadd.s32 $0x8F2B, s0  }
0xbd: {  	[sflag:s0] =	ssyncadd.remote.s32 $0x1  }
0xbe: {  	_ =	sfence.sel $0xFFFF  }
0xbf: {  	[dreg:$0x0] =	wrdreg $0xFFFFFFFF;
	(pc) =	sbr.abs _section_cstart, $3  }
0xc0: {  	[dreg:$0x1] =	wrdreg $0xFFFFFFFF  }
0xc1: {  	_ =	task.clear_ibuf [dreg:s6], $0x2FFFF;
	_ =	strace $0x9FFFFFFF  }
0xc2: {  	(tm) =	ssettm $0x7FFFFFFF  }
0xc3: {  	_ =	shalt  }
tec
execute0_lowered:
.L_overlay_start_1:
0x0: {  	(tag) =	ssettag $0x1  }
0x1: {  	s0 =	rddreg [dreg:$0x0]  }
0x2: {  	s1 =	rddreg [dreg:$0x1];
	s2 =	srdreg.scid;
	s3 =	simm.s32 $0x0  }
0x3: {  	s12 =	stileid.u32;
	s28 =	simm.s32 $0x17E00;
	s29 =	simm.s32 $0x4  }
0x4: {  	s30 =	simm.s32 $0x5;
	s31 =	simm.s32 $0x6;
	s2 =	sand.u32 $0x1, s2  }
0x5: {  	[smem:$0x7FF] =	sst s3;
	s7 =	smul.u32 $0x13C00, s12;
	s4 =	sadd.s32 $0x516A00, s0  }
0x6: {  	s5 =	sadd.s32 $0xD800, s0;
	s9 =	sadd.s32 $0x21800, s0;
	s15 =	smul.u32 $0x4F000, s12  }
0x7: {  	s11 =	sshll.u32 s12, $0x7;
	s19 =	sshll.u32 s12, $0x6;
	s6 =	smul.u32 $0x13C000, s2  }
0x8: {  	_ =	strace $0x8000004D;
	s8 =	sshll.u32 s2, $0x4;
	[dreg:$0x4] =	wrdreg s9  }
0x9: {  	s2 =	ssub.s32 $0x2, s2;
	s18 =	sand.u32 $0x380, s11;
	s14 =	sor.u32 s12, s8  }
0xa: {  	s10 =	sshrl.u32 s2, $0x1;
	s17 =	sshrl.u32 s15, $0x2;
	s7 =	sadd.s32 s7, s6  }
0xb: {  	s6 =	sadd.s32 $0x17800, s0;
	s16 =	sshrl.u32 s14, $0x3;
	s2 =	ssub.s32 s2, s10  }
0xc: {  	s8 =	smul.u32 $0x2800, s14;
	s17 =	sadd.s32 s17, s1;
	s7 =	sshrl.u32 s7, $0x3  }
0xd: {  	s9 =	smul.u32 $0x14000, s16;
	s2 =	smax.u32 s2, $0x1;
	s17 =	sshrl.u32 s17, $0x3  }
0xe: {  	s0 =	sadd.s32 s7, s0;
	s22 =	sshrl.u32 s8, $0x3;
	[dreg:$0x9] =	wrdreg s2  }
0xf: {  	s16 =	sor.u32 s18, s9;
	s9 =	sor.u32 $0x1C03, s19;
	s12 =	sadd.s32 s6, s22  }
0x10: {  	s0 =	sadd.s32 $0xC0800, s0;
	s18 =	simm.s32 $0x3;
	s19 =	simm.s32 $0x13C00  }
0x11: {  	s22 =	simm.s32 $0x13D80;
	s20 =	sshrl.u32 s16, $0x3;
	s23 =	sor.u32 $0xC00, s16  }
0x12: {  	s25 =	sadd.s32 $0x10, s12;
	[dreg:$0x8] =	wrdreg s0;
	s7 =	sor.u32 $0x800, s16  }
0x13: {  	s0 =	simm.s32 $0x0;
	s21 =	sadd.s32 s5, s20;
	s24 =	sshrl.u32 s23, $0x3  }
0x14: {  	[dreg:$0x7] =	wrdreg s25;
	s20 =	simm.s32 $0x13C80;
	s23 =	simm.s32 $0x1  }
0x15: {  	s25 =	simm.s32 $0x13E00;
	[dreg:$0x5] =	wrdreg s21;
	s10 =	sadd.s32 $0x80, s21  }
0x16: {  	s26 =	sadd.s32 s24, s5;
	s21 =	simm.s32 $0x13D00;
	[dreg:$0x6] =	wrdreg s10  }
0x17: {  	s24 =	simm.s32 $0x80;
	[dreg:$0x3] =	wrdreg s26;
	s26 =	simm.s32 $0x2  }
.LBB2_1:
0x18: {  	s2 =	rddreg [dreg:$0x4]  }
0x19: {  	[spmem:s17], [sflag:s9] =	dma.local [hbm:s2], $0x2780  }
0x1a: {  	_ =	swait.ge [sflag:s18], $0x2780  }
0x1b: {  	[sflag:s18] =	ssyncset.done $0x0  }
0x1c: {  	[sflag:s18] =	ssyncadd.s32 $0xFFFFD880  }
0x1d: {  	[bflag:$0x0] =	sbarrier.arrive $0xFFFF  }
0x1e: {  	s15 =	rddreg [dreg:$0x5]  }
0x1f: {  	[tilespmem:s19], [sflag:$0x1] =	stream.linear.gather [hbm4b:s15+s3], $0x80, $0x38;
	[tilespmem:$0x1BE00] =	vst v63  }
0x20: {  	s16 =	rddreg [dreg:$0x6]  }
0x21: {  	[tilespmem:s20], [sflag:$0x2] =	stream.linear.gather [hbm4b:s16+s3], $0x80, $0x38;
	[tilespmem:$0x1BE00] =	vst v63  }
0x22: {  	_ = 	snop  }
0x23: {  	[tilespmem:s21], [sflag:$0x1] =	stream.linear.gather [hbm4b:s12+s3], $0x80, $0x38;
	[tilespmem:$0x1BE00] =	vst v63  }
0x24: {  	s10 =	rddreg [dreg:$0x7]  }
0x25: {  	[tilespmem:s22], [sflag:$0x2] =	stream.linear.gather [hbm4b:s10+s3], $0x80, $0x38;
	[tilespmem:$0x1BE00] =	vst v63  }
0x26: {  	_ =	swait.ge [sflag:s23], $0x80  }
0x27: {  	[sflag:s23] =	ssyncset.done $0x0  }
0x28: {  	[sflag:s23] =	ssyncadd.s32 $0xFFFFFF80  }
0x29: {  	_ =	swait.ge [sflag:s23], $0x80  }
0x2a: {  	[sflag:s23] =	ssyncset.done $0x0  }
0x2b: {  	[sflag:s23] =	ssyncadd.s32 $0xFFFFFF80  }
0x2c: {  	[tilespmem:s25], [sflag:$0x3] =	stream.indirect.gather [hbm4b:s4+s24], $0x80, s19, s24, $0xb8;
	[tilespmem:$0x1BE00] =	vst v63  }
0x2d: {  	_ =	swait.ge [sflag:s26], $0x80  }
0x2e: {  	[sflag:s26] =	ssyncset.done $0x0  }
0x2f: {  	[sflag:s26] =	ssyncadd.s32 $0xFFFFFF80  }
0x30: {  	_ =	swait.ge [sflag:s26], $0x80  }
0x31: {  	[sflag:s26] =	ssyncset.done $0x0  }
0x32: {  	[sflag:s26] =	ssyncadd.s32 $0xFFFFFF80  }
0x33: {  	[tilespmem:s28], [sflag:$0x4] =	stream.indirect.gather [hbm4b:s4+s24], $0x80, s20, s24, $0xb8;
	[tilespmem:$0x1BE00] =	vst v63  }
0x34: {  	_ =	swait.ge [sflag:s18], $0x4000  }
0x35: {  	[sflag:s18] =	ssyncset.done $0x0  }
0x36: {  	s11 =	sshrl.u32 s7, $0x3;
	[sflag:s18] =	ssyncadd.s32 $0xFFFFC000  }
0x37: {  	[spmem:s1] =	stream.indirect.scatter.add.f32 [tilespmem:s25], [sflag:$0x5], $0x80, s21, s24, $0xb8;
	[tilespmem:$0x1BE00] =	vst v63  }
0x38: {  	s2 =	sadd.s32 s5, s11  }
0x39: {  	[tilespmem:s19], [sflag:$0x1] =	stream.linear.gather [hbm4b:s2+s3], $0x80, $0x38;
	[tilespmem:$0x1BE00] =	vst v63  }
0x3a: {  	s14 =	simm.s32 $0x180;
	_ =	swait.ge [sflag:s29], $0x4000  }
0x3b: {  	s11 =	simm.s32 $0x100;
	[sflag:s29] =	ssyncset.done $0x0;
	s13 =	rddreg [dreg:$0x3]  }
0x3c: {  	s16 =	sand.u32 $0x7C00, s11;
	[sflag:s29] =	ssyncadd.s32 $0xFFFFC000;
	s2 =	sadd.s32 $0x180, s13  }
0x3d: {  	[spmem:s1] =	stream.indirect.scatter.add.f32 [tilespmem:s28], [sflag:$0x6], $0x80, s22, s24, $0xb8;
	[tilespmem:$0x1BE00] =	vst v63  }
0x3e: {  	s11 =	sand.u32 $0x300, s11;
	s16 =	sadd.s32 s8, s16;
	s2 =	sadd.s32 $0xFFFFFE80, s2  }
0x3f: {  	[tilespmem:s20], [sflag:$0x2] =	stream.linear.gather [hbm4b:s2+s3], $0x80, $0x38;
	[tilespmem:$0x1BE00] =	vst v63  }
0x40: {  	s15 =	sand.u32 $0x380, s14;
	s11 =	sor.u32 s11, s16;
	_ =	swait.ge [sflag:s30], $0x4000  }
0x41: {  	s11 =	sshrl.u32 s11, $0x3;
	s2 =	sand.u32 $0x7C00, s14;
	[sflag:s30] =	ssyncset.done $0x0  }
0x42: {  	s11 =	sadd.s32 s6, s11;
	s2 =	sadd.s32 s8, s2;
	[sflag:s30] =	ssyncadd.s32 $0xFFFFC000  }
0x43: {  	[tilespmem:s21], [sflag:$0x1] =	stream.linear.gather [hbm4b:s11+s3], $0x80, $0x38;
	[tilespmem:$0x1BE00] =	vst v63  }
0x44: {  	s16 =	sor.u32 s15, s2;
	s2 =	simm.s32 $0x280;
	_ =	swait.ge [sflag:s31], $0x4000  }
0x45: {  	s11 =	sshrl.u32 s16, $0x3;
	s16 =	smov.u32 s7;
	[sflag:s31] =	ssyncset.done $0x0  }
.LBB2_2:
0x46: {  	[sflag:s31] =	ssyncadd.s32 $0xFFFFC000;
	s13 =	sadd.s32 s6, s11  }
0x47: {  	[tilespmem:s22], [sflag:$0x2] =	stream.linear.gather [hbm4b:s13+s3], $0x80, $0x38;
	[tilespmem:$0x1BE00] =	vst v63  }
0x48: {  	_ =	swait.ge [sflag:s23], $0x80  }
0x49: {  	[sflag:s23] =	ssyncset.done $0x0  }
0x4a: {  	[sflag:s23] =	ssyncadd.s32 $0xFFFFFF80  }
0x4b: {  	_ =	swait.ge [sflag:s23], $0x80  }
0x4c: {  	[sflag:s23] =	ssyncset.done $0x0  }
0x4d: {  	[sflag:s23] =	ssyncadd.s32 $0xFFFFFF80  }
0x4e: {  	[tilespmem:s25], [sflag:$0x3] =	stream.indirect.gather [hbm4b:s4+s24], $0x80, s19, s24, $0xb8;
	[tilespmem:$0x1BE00] =	vst v63  }
0x4f: {  	_ =	swait.ge [sflag:s26], $0x80  }
0x50: {  	[sflag:s26] =	ssyncset.done $0x0  }
0x51: {  	[sflag:s26] =	ssyncadd.s32 $0xFFFFFF80  }
0x52: {  	_ =	swait.ge [sflag:s26], $0x80  }
0x53: {  	[sflag:s26] =	ssyncset.done $0x0  }
0x54: {  	[sflag:s26] =	ssyncadd.s32 $0xFFFFFF80  }
0x55: {  	[tilespmem:s28], [sflag:$0x4] =	stream.indirect.gather [hbm4b:s4+s24], $0x80, s20, s24, $0xb8;
	[tilespmem:$0x1BE00] =	vst v63  }
0x56: {  	_ =	swait.ge [sflag:s18], $0x4000  }
0x57: {  	s16 =	sadd.s32 $0x800, s16;
	[sflag:s18] =	ssyncset.done $0x0  }
0x58: {  	s15 =	sshrl.u32 s16, $0x3;
	[sflag:s18] =	ssyncadd.s32 $0xFFFFC000  }
0x59: {  	[spmem:s1] =	stream.indirect.scatter.add.f32 [tilespmem:s25], [sflag:$0x5], $0x80, s21, s24, $0xb8;
	[tilespmem:$0x1BE00] =	vst v63  }
0x5a: {  	s11 =	smov.u32 s2;
	s13 =	sadd.s32 s5, s15  }
0x5b: {  	[tilespmem:s19], [sflag:$0x1] =	stream.linear.gather [hbm4b:s13+s3], $0x80, $0x38;
	[tilespmem:$0x1BE00] =	vst v63  }
0x5c: {  	p0 =	sne.s32 s2, $0x2780;
	s14 =	sadd.s32 $0xFFFFFF80, s11;
	_ =	swait.ge [sflag:s29], $0x4000  }
0x5d: {  	s15 =	sand.u32 $0x380, s11;
	[sflag:s29] =	ssyncset.done $0x0;
	s10 =	rddreg [dreg:$0x3]  }
0x5e: {  	[sflag:s29] =	ssyncadd.s32 $0xFFFFC000;
	s13 =	sadd.s32 s11, s10;
	s10 =	sand.u32 $0x7C00, s14  }
0x5f: {  	[spmem:s1] =	stream.indirect.scatter.add.f32 [tilespmem:s28], [sflag:$0x6], $0x80, s22, s24, $0xb8;
	[tilespmem:$0x1BE00] =	vst v63  }
0x60: {  	s14 =	sand.u32 $0x300, s14;
	s13 =	sadd.s32 $0xFFFFFE80, s13;
	s10 =	sadd.s32 s8, s10  }
0x61: {  	[tilespmem:s20], [sflag:$0x2] =	stream.linear.gather [hbm4b:s13+s3], $0x80, $0x38;
	[tilespmem:$0x1BE00] =	vst v63  }
0x62: {  	s11 =	sand.u32 $0x7C00, s11;
	s10 =	sor.u32 s14, s10;
	_ =	swait.ge [sflag:s30], $0x4000  }
.Ltmp0:
0x63: {  	s10 =	sshrl.u32 s10, $0x3;
	[sflag:s30] =	ssyncset.done $0x0;
	(pc) =	sbr.rel @p0 .LBB2_2-.Ltmp0, $4  }
0x64: {  	s11 =	sadd.s32 s8, s11;
	s10 =	sadd.s32 s6, s10;
	[sflag:s30] =	ssyncadd.s32 $0xFFFFC000  }
0x65: {  	[tilespmem:s21], [sflag:$0x1] =	stream.linear.gather [hbm4b:s10+s3], $0x80, $0x38;
	[tilespmem:$0x1BE00] =	vst v63  }
0x66: {  	s15 =	sor.u32 s15, s11;
	_ =	swait.ge [sflag:s31], $0x4000  }
0x67: {  	s2 =	sadd.s32 $0x100, s2;
	s11 =	sshrl.u32 s15, $0x3;
	[sflag:s31] =	ssyncset.done $0x0  }
0x68: {  	[sflag:s31] =	ssyncadd.s32 $0xFFFFC000;
	s2 =	sadd.s32 s6, s11  }
0x69: {  	[tilespmem:s22], [sflag:$0x2] =	stream.linear.gather [hbm4b:s2+s3], $0x80, $0x38;
	[tilespmem:$0x1BE00] =	vst v63  }
0x6a: {  	_ =	swait.ge [sflag:s23], $0x80  }
0x6b: {  	[sflag:s23] =	ssyncset.done $0x0  }
0x6c: {  	[sflag:s23] =	ssyncadd.s32 $0xFFFFFF80  }
0x6d: {  	_ =	swait.ge [sflag:s23], $0x80  }
0x6e: {  	[sflag:s23] =	ssyncset.done $0x0  }
0x6f: {  	[sflag:s23] =	ssyncadd.s32 $0xFFFFFF80  }
0x70: {  	[tilespmem:s25], [sflag:$0x3] =	stream.indirect.gather [hbm4b:s4+s24], $0x80, s19, s24, $0xb8;
	[tilespmem:$0x1BE00] =	vst v63  }
0x71: {  	_ =	swait.ge [sflag:s26], $0x80  }
0x72: {  	[sflag:s26] =	ssyncset.done $0x0  }
0x73: {  	[sflag:s26] =	ssyncadd.s32 $0xFFFFFF80  }
0x74: {  	_ =	swait.ge [sflag:s26], $0x80  }
0x75: {  	[sflag:s26] =	ssyncset.done $0x0  }
0x76: {  	[sflag:s26] =	ssyncadd.s32 $0xFFFFFF80  }
0x77: {  	[tilespmem:s28], [sflag:$0x4] =	stream.indirect.gather [hbm4b:s4+s24], $0x80, s20, s24, $0xb8;
	[tilespmem:$0x1BE00] =	vst v63  }
0x78: {  	_ =	swait.ge [sflag:s18], $0x4000  }
0x79: {  	[sflag:s18] =	ssyncset.done $0x0  }
0x7a: {  	[sflag:s18] =	ssyncadd.s32 $0xFFFFC000  }
0x7b: {  	[spmem:s1] =	stream.indirect.scatter.add.f32 [tilespmem:s25], [sflag:$0x5], $0x80, s21, s24, $0xb8;
	[tilespmem:$0x1BE00] =	vst v63  }
0x7c: {  	_ =	swait.ge [sflag:s29], $0x4000  }
0x7d: {  	[sflag:s29] =	ssyncset.done $0x0  }
0x7e: {  	[sflag:s29] =	ssyncadd.s32 $0xFFFFC000  }
0x7f: {  	[spmem:s1] =	stream.indirect.scatter.add.f32 [tilespmem:s28], [sflag:$0x6], $0x80, s22, s24, $0xb8;
	[tilespmem:$0x1BE00] =	vst v63  }
0x80: {  	_ =	swait.ge [sflag:s30], $0x4000  }
0x81: {  	[sflag:s30] =	ssyncset.done $0x0  }
0x82: {  	[sflag:s30] =	ssyncadd.s32 $0xFFFFC000  }
0x83: {  	_ =	swait.ge [sflag:s31], $0x4000  }
0x84: {  	[sflag:s31] =	ssyncset.done $0x0  }
0x85: {  	[sflag:s31] =	ssyncadd.s32 $0xFFFFC000  }
0x86: {  	[bflag:$0x0] =	sbarrier.arrive $0xFFFF  }
0x87: {  	s15 =	rddreg [dreg:$0x8]  }
0x88: {  	[hbm:s15], [sflag:s9] =	dma.local [spmem:s17], $0x2780  }
0x89: {  	_ =	swait.ge [sflag:s18], $0x2780  }
0x8a: {  	s0 =	sadd.s32 $0x1, s0;
	s16 =	rddreg [dreg:$0x9]  }
0x8b: {  	p0 =	sne.s32 s0, s16  }
.Ltmp1:
0x8c: {  	_ = 	snop;
	(pc) =	sbr.rel @p0 .LBB2_1-.Ltmp1, $3  }
0x8d: {  	_ =	sdelay $0x1  }
0x8e: {  	[sflag:s18] =	ssyncset.done $0x0  }
0x8f: {  	[sflag:s18] =	ssyncadd.s32 $0xFFFFD880  }
0x90: {  	_ =	sfence.sel $0x180000  }
0x91: {  	[bflag:$0x0] =	sbarrier.arrive $0xFFFF  }
0x92: {  	_ =	strace $0x9000004D  }
0x93: {  	s0 =	stileid.u32;
	[bflag:$0x2] =	sbarrier.arrive $0xFFFF  }
0x94: {  	p0 =	sne.s32 s0, $0x0;
	s0 =	rddreg [dreg:$0x2]  }
0x95: {  	s0 =	sadd.s32 @!p0 $0x100000, s0  }
0x96: {  	[sflag:s0] =	ssyncadd.tile.s32 @!p0 $0x1;
	_ =	shalt  }
.Lfunc_end2:
_tile_overlayer_lowered:
.L_overlay_start_2:
0x97: {  	(tag) =	ssettag $0x2  }
0x98: {  	s0 =	rddreg [dreg:$0x0];
	s2 =	stileid.u32  }
0x99: {  	s1 =	rddreg [dreg:$0x1];
	p0 =	sne.s32 s2, $0x0  }
0x9a: {  	s3 =	rddreg [dreg:$0x2];
	[bflag:$0x3] =	sbarrier.arrive $0xFFFF;
	s2 =	simm.s32 @!p0 $0x1C07  }
0x9b: {  	[timem:s3], [sflag:s2] =	dma.local @!p0 [hbm:s0], s1  }
0x9c: {  	s0 =	simm.s32 @!p0 $0x7  }
0x9d: {  	_ =	swait.ge @!p0 [sflag:s0], s1  }
0x9e: {  	s1 =	ssub.s32 @!p0 $0x0, s1;
	[sflag:s0] =	ssyncset.done @!p0 $0x0  }
0x9f: {  	[sflag:s0] =	ssyncadd.s32 @!p0 s1  }
0xa0: {  	[bflag:$0x3] =	sbarrier.arrive $0xFFFF  }
0xa1: {  	_ =	shalt  }

// kernel: kernel.8.cloned.1.call-start
scs
__scs_entry_jumppad:
0x0: {  	(pc) =	sbr.rel $0x88, $3  }
0x1: {  	(tag) =	ssettag $0x0;
	lr =	simm.s32 $0x1  }
0x2: {  	[smem:$0x3F92] =	sst lr;
	_ =	strace $0xD0000000  }
0x3: {  	_ = 	snop  }
0x4: {  	_ = 	snop  }
0x5: {  	_ = 	snop  }
0x6: {  	_ = 	snop  }
0x7: {  	_ = 	snop  }
__scs_overlays_trampoline_lowered:
0x8: {  	[smem:$0x3FA1] =	sst s0  }
0x9: {  	[smem:$0x3FA2] =	sst s1  }
0xa: {  	[smem:$0x3FA3] =	sst s2  }
0xb: {  	[smem:$0x3FA4] =	sst s3  }
0xc: {  	[smem:$0x3FA5] =	sst s4  }
0xd: {  	[smem:$0x3FA6] =	sst s5  }
0xe: {  	[smem:$0x3FA7] =	sst s6  }
0xf: {  	[smem:$0x3FA8] =	sst s7  }
0x10: {  	[smem:$0x3FA9] =	sst s8  }
0x11: {  	[smem:$0x3FAA] =	sst s9;
	s0 =	simm.s32 @!p0 $0x0  }
0x12: {  	s1 =	sld [smem:$0x3F90];
	s0 =	simm.s32 @p0 $0x1  }
0x13: {  	[smem:$0x3FAB] =	sst s0;
	s0 =	simm.s32 @!p1 $0x0  }
0x14: {  	s2 =	sld [smem:$0x3F8F];
	s0 =	simm.s32 @p1 $0x1  }
0x15: {  	[smem:$0x3FAC] =	sst s0;
	s0 =	simm.s32 @!p2 $0x0  }
0x16: {  	s3 =	sld [smem:$0x3FDB];
	s0 =	simm.s32 @p2 $0x1  }
0x17: {  	s4 =	simm.s32 $0x1BF5;
	[smem:$0x3FAE] =	sst s0  }
0x18: {  	s0 =	sld [smem:$0x3F91];
	_ =	swait.ge [sflag:s4], $0x0  }
0x19: {  	s7 =	sld [smem:$0x3F92]  }
0x1a: {  	s8 =	sadd.s32 $0xFFFFE003, lr  }
0x1b: {  	s9 =	sadd.s32 $0xFFFFFEF7, lr;
	s5 =	simm.s32 $0xFFFFFFFF;
	p2 =	slt.u32 s8, $0xFFFFF086  }
0x1c: {  	p1 =	slt.u32 s9, $0xF7A;
	s5 =	simm.s32 @!p2 $0x0  }
0x1d: {  	s5 =	simm.s32 @p1 $0x1;
	p0 =	seq.s32 s7, s2  }
0x1e: {  	s7 =	smul.u32 @!p0 $0xF7A, s2;
	p2 =	seq.s32 @!p0 s5, $0x0  }
0x1f: {  	s9 =	smul.u32 $0xF7A, s1;
	s8 =	simm.s32 @!p0 $0x1BF5;
	p2 =	por !p2, p0  }
0x20: {  	[sflag:s8] =	ssyncset.s32 @!p0 $0xFFFFF086;
	s6 =	sadd.s32 @!p0 s3, s7;
	s7 =	simm.s32 @!p0 $0x108  }
0x21: {  	s3 =	sadd.s32 s3, s9;
	s6 =	sadd.s32 @!p0 $0x88, s6;
	s7 =	simm.s32 @p2 $0x1082  }
0x22: {  	[simem:s7], [sflag:s8] =	dma.local @!p0 [hbm:s6], $0xF7A  }
0x23: {  	s9 =	sor.u32 $0xD0000000, s2;
	s6 =	simm.s32 $0x108;
	_ =	swait.ge @!p0 [sflag:s8], $0x0  }
0x24: {  	s3 =	sadd.s32 $0x88, s3;
	s6 =	simm.s32 @!p1 $0x1082;
	[sflag:s4] =	ssyncset.s32 $0xFFFFF086  }
0x25: {  	[simem:s6], [sflag:s4] =	dma.local [hbm:s3], $0xF7A  }
0x26: {  	[smem:$0x3F92] =	sst s1;
	(tag) =	ssettag s2;
	_ =	strace s9  }
0x27: {  	s1 =	sld [smem:$0x3FA2]  }
0x28: {  	s2 =	sld [smem:$0x3FA3]  }
0x29: {  	s4 =	sld [smem:$0x3FA5]  }
0x2a: {  	p0 =	seq.s32 s5, $0x0;
	s5 =	sld [smem:$0x3FA6]  }
0x2b: {  	s6 =	sld [smem:$0x3FA7]  }
0x2c: {  	s7 =	sld [smem:$0x3FA8]  }
0x2d: {  	s3 =	simm.s32 $0x108;
	s8 =	sld [smem:$0x3FA9]  }
0x2e: {  	s3 =	simm.s32 @!p0 $0x1082;
	s9 =	sld [smem:$0x3FAA]  }
0x2f: {  	lr =	sadd.s32 s0, s3;
	s0 =	sld [smem:$0x3FA1]  }
0x30: {  	s3 =	sld [smem:$0x3FA4]  }
0x31: {  	[smem:$0x3FAD] =	sst s10  }
0x32: {  	s10 =	sld [smem:$0x3FAB];
	_ =	sdelay $0x3  }
0x33: {  	p0 =	seq.s32 s10, $0x1;
	s10 =	sld [smem:$0x3FAD];
	_ =	sdelay $0x3  }
0x34: {  	[smem:$0x3FAD] =	sst s10  }
0x35: {  	s10 =	sld [smem:$0x3FAC];
	_ =	sdelay $0x3  }
0x36: {  	p1 =	seq.s32 s10, $0x1;
	s10 =	sld [smem:$0x3FAD];
	_ =	sdelay $0x3  }
0x37: {  	[smem:$0x3FAD] =	sst s10  }
0x38: {  	s10 =	sld [smem:$0x3FAE]  }
0x39: {  	_ = 	snop;
	(pc) =	sbr.ind lr, $3  }
0x3a: {  	_ = 	snop  }
0x3b: {  	_ = 	snop  }
0x3c: {  	p2 =	seq.s32 s10, $0x1;
	s10 =	sld [smem:$0x3FAD]  }
0x3d: {  	_ =	shalt  }
0x3e: {  	_ =	shalt  }
0x3f: {  	_ =	shalt  }
0x40: {  	_ =	shalt  }
0x41: {  	_ =	shalt  }
0x42: {  	_ =	shalt  }
0x43: {  	_ =	shalt  }
0x44: {  	_ =	shalt  }
0x45: {  	_ =	shalt  }
0x46: {  	_ =	shalt  }
0x47: {  	_ =	shalt  }
0x48: {  	_ =	shalt  }
0x49: {  	_ =	shalt  }
0x4a: {  	_ =	shalt  }
0x4b: {  	_ =	shalt  }
0x4c: {  	_ =	shalt  }
0x4d: {  	_ =	shalt  }
0x4e: {  	_ =	shalt  }
0x4f: {  	_ =	shalt  }
0x50: {  	_ =	shalt  }
0x51: {  	_ =	shalt  }
0x52: {  	_ =	shalt  }
0x53: {  	_ =	shalt  }
0x54: {  	_ =	shalt  }
0x55: {  	_ =	shalt  }
0x56: {  	_ =	shalt  }
0x57: {  	_ =	shalt  }
0x58: {  	_ =	shalt  }
0x59: {  	_ =	shalt  }
0x5a: {  	_ =	shalt  }
0x5b: {  	_ =	shalt  }
0x5c: {  	_ =	shalt  }
0x5d: {  	_ =	shalt  }
0x5e: {  	_ =	shalt  }
0x5f: {  	_ =	shalt  }
0x60: {  	_ =	shalt  }
0x61: {  	_ =	shalt  }
0x62: {  	_ =	shalt  }
0x63: {  	_ =	shalt  }
0x64: {  	_ =	shalt  }
0x65: {  	_ =	shalt  }
0x66: {  	_ =	shalt  }
0x67: {  	_ =	shalt  }
0x68: {  	_ =	shalt  }
0x69: {  	_ =	shalt  }
0x6a: {  	_ =	shalt  }
0x6b: {  	_ =	shalt  }
0x6c: {  	_ =	shalt  }
0x6d: {  	_ =	shalt  }
0x6e: {  	_ =	shalt  }
0x6f: {  	_ =	shalt  }
0x70: {  	_ =	shalt  }
0x71: {  	_ =	shalt  }
0x72: {  	_ =	shalt  }
0x73: {  	_ =	shalt  }
0x74: {  	_ =	shalt  }
0x75: {  	_ =	shalt  }
0x76: {  	_ =	shalt  }
0x77: {  	_ =	shalt  }
0x78: {  	_ =	shalt  }
0x79: {  	_ =	shalt  }
0x7a: {  	_ =	shalt  }
0x7b: {  	_ =	shalt  }
0x7c: {  	_ =	shalt  }
0x7d: {  	_ =	shalt  }
0x7e: {  	_ =	shalt  }
0x7f: {  	_ =	shalt  }
0x80: {  	_ =	shalt  }
0x81: {  	_ =	shalt  }
0x82: {  	_ =	shalt  }
0x83: {  	_ =	shalt  }
0x84: {  	_ =	shalt  }
0x85: {  	_ =	shalt  }
0x86: {  	_ =	shalt  }
0x87: {  	_ =	shalt  }
.Lfunc_end0:
.L_simem_size_0:
called_computation_lowered:
.L_overlay_start_0:
0x88: {  	s2 =	sld [smem:$0x3FD9]  }
0x89: {  	s3 =	sld [smem:$0x3FFE];
	_ =	sdelay $0x1  }
0x8a: {  	s1 =	srdreg.scid  }
0x8b: {  	s0 =	sand.u32 $0x1, s1  }
0x8c: {  	s17 =	sshll.u32 s0, $0xA;
	s2 =	sadd.s32 s3, s2  }
0x8d: {  	s2 =	sadd.s32 s2, s17  }
0x8e: {  	[smem:$0x3FB9] =	sst s2  }
0x8f: {  	_ = 	snop  }
0x90: {  	(tm) =	ssettm $0x1  }
0x91: {  	s18 =	sld [smem:$0x3FFB];
	_ =	sdelay $0x3  }
0x92: {  	_ =	strace s18  }
0x93: {  	s2 =	sld [smem:$0x3FFC];
	_ =	sdelay $0x3  }
0x94: {  	_ =	strace s2  }
0x95: {  	s2 =	sld [smem:$0x3FFD];
	_ =	sdelay $0x3  }
0x96: {  	_ =	strace s2  }
0x97: {  	_ =	strace $0x8FFFFFFF  }
0x98: {  	s19 =	sld [smem:$0x3FDB];
	_ =	sdelay $0x1  }
0x99: {  	s20 =	simm.s32 $_scs_section_size  }
0x9a: {  	s4 =	simm.s32 $_size__tile_overlayer_lowered;
	s5 =	simm.s32 $_tile_overlayer_lowered  }
0x9b: {  	s6 =	simm.s32 $0x1BFF;
	s21 =	sshll.u32 s5, $0x1;
	s3 =	sadd.s32 s20, s19  }
0x9c: {  	s22 =	simm.s32 $0x0;
	s4 =	sshll.u32 s4, $0x1;
	s5 =	sadd.s32 s21, s3  }
0x9d: {  	[timem:s22], [sflag:s6] =	dma.local [hbm:s5], s4  }
0x9e: {  	_ =	swait.ge [sflag:s6], s4  }
0x9f: {  	s4 =	ssub.s32 $0x0, s4;
	[sflag:s6] =	ssyncset.done $0x0  }
0xa0: {  	[sflag:s6] =	ssyncadd.s32 s4;
	_ =	sdelay $0x1  }
0xa1: {  	s23 =	simm.s32 $0x1B8B  }
0xa2: {  	_ =	swait.ge [sflag:s23], $0x1  }
0xa3: {  	[sflag:s23] =	ssyncset.done $0x0  }
0xa4: {  	[sflag:s23] =	ssyncadd.s32 $0xFFFFFFFF  }
0xa5: {  	s4 =	sld [smem:$0x0]  }
0xa6: {  	s5 =	sand.u32 $0xFFFFFFFE, s1  }
0xa7: {  	p0 =	sne.s32 s1, s5  }
0xa8: {  	s5 =	sshll.u32 @p0 s5, $0xE  }
0xa9: {  	s5 =	sadd.s32 @p0 $0x11B8D, s5;
	s6 =	sshll.u32 @p0 s4, $0x11  }
0xaa: {  	s5 =	sor.u32 @p0 s6, s5  }
0xab: {  	[sflag:s5] =	ssyncadd.remote.s32 @p0 $0x1;
	_ =	sdelay $0x1  }
0xac: {  	s5 =	simm.s32 @p0 $0x1B8D  }
0xad: {  	_ =	swait.eq @p0 [sflag:s5], $0x1  }
0xae: {  	[sflag:s5] =	ssyncadd.s32 @p0 $0xFFFFFFFF  }
0xaf: {  	s6 =	sshll.u32 @!p0 s1, $0xE  }
0xb0: {  	s6 =	sor.u32 @!p0 $0x4000, s6;
	s5 =	simm.s32 @!p0 $0x1B8D  }
0xb1: {  	s4 =	sshll.u32 @!p0 s4, $0x11;
	s6 =	sadd.s32 @!p0 $0x11B8D, s6;
	_ =	swait.eq @!p0 [sflag:s5], $0x1  }
0xb2: {  	s4 =	sor.u32 @!p0 s4, s6;
	[sflag:s5] =	ssyncadd.s32 @!p0 $0xFFFFFFFF  }
0xb3: {  	s25 =	simm.s32 $0x1B8E;
	s24 =	sld [smem:$0x3FFE];
	[sflag:s4] =	ssyncadd.remote.s32 @!p0 $0x1  }
0xb4: {  	s26 =	simm.s32 $execute0_lowered;
	[smem:$0x3FD2] =	sst s25  }
0xb5: {  	s5 =	sshll.u32 s26, $0x1;
	_ =	strace $0x80000049;
	[dreg:$0x1] =	wrdreg $0xFFFFFFFF  }
0xb6: {  	s28 =	simm.s32 $_size_execute0_lowered;
	s3 =	sadd.s32 s3, s5;
	[dreg:$0x0] =	wrdreg $0x0  }
0xb7: {  	s5 =	sshll.u32 s28, $0x1;
	[dreg:$0x2] =	wrdreg s3  }
0xb8: {  	[dreg:$0x3] =	wrdreg s5  }
0xb9: {  	[dreg:$0x4] =	wrdreg $0xC0  }
0xba: {  	_ =	task [dreg:s22], $0x5FFFF  }
0xbb: {  	[dreg:$0x1] =	wrdreg $0xFFFFFFFF  }
0xbc: {  	[dreg:$0x0] =	wrdreg $0x60  }
0xbd: {  	[dreg:$0x2] =	wrdreg s24  }
0xbe: {  	[dreg:$0x3] =	wrdreg $0x0  }
0xbf: {  	[dreg:$0x4] =	wrdreg $0x9  }
0xc0: {  	_ =	task.clear_ibuf [dreg:s22], $0x5FFFF;
	_ =	strace $0x90000049  }
0xc1: {  	s29 =	simm.s32 $0x9;
	_ =	strace $0x8000004B  }
0xc2: {  	_ =	swait.ge [sflag:s29], $0x1  }
0xc3: {  	[sflag:s29] =	ssyncadd.s32 $0xFFFFFFFF  }
0xc4: {  	_ =	strace $0x9000004B  }
0xc5: {  	_ =	sfence  }
0xc6: {  	s30 =	sld [smem:$0x0];
	_ =	sdelay $0x2  }
0xc7: {  	s31 =	sshll.u32 s1, $0xD;
	s1 =	sshrl.u32 s1, $0x2  }
0xc8: {  	s4 =	sand.u32 $0x4000, s31;
	s1 =	sadd.s32 s1, s30  }
0xc9: {  	s0 =	sor.u32 s4, s0;
	s1 =	sshll.u32 s1, $0x11  }
0xca: {  	s0 =	sor.u32 s1, s0  }
0xcb: {  	s0 =	sadd.s32 $0x8F2B, s0  }
0xcc: {  	[sflag:s0] =	ssyncadd.remote.s32 $0x1  }
0xcd: {  	_ =	sfence.sel $0xFFFF  }
0xce: {  	[dreg:$0x0] =	wrdreg $0xFFFFFFFF;
	(pc) =	sbr.abs _section_cstart, $3  }
0xcf: {  	[dreg:$0x1] =	wrdreg $0xFFFFFFFF  }
0xd0: {  	_ =	task.clear_ibuf [dreg:s22], $0x2FFFF;
	_ =	strace $0x9FFFFFFF  }
0xd1: {  	(tm) =	ssettm $0x7FFFFFFF  }
tec
execute0_lowered:
.L_overlay_start_1:
0x0: {  	(tag) =	ssettag $0x1  }
0x1: {  	s8 =	rddreg [dreg:$0x0]  }
0x2: {  	s1 =	rddreg [dreg:$0x1]  }
0x3: {  	s0 =	rddreg [dreg:$0x2];
	s2 =	simm.s32 $0x0  }
0x4: {  	s3 =	srdreg.scid;
	s16 =	simm.s32 $0x17D00;
	s17 =	simm.s32 $0x4  }
0x5: {  	s18 =	simm.s32 $0x13C00;
	s19 =	simm.s32 $0x13C80;
	s20 =	simm.s32 $0x1  }
0x6: {  	s21 =	simm.s32 $0x2;
	s22 =	simm.s32 $0x80;
	s23 =	simm.s32 $0x5  }
0x7: {  	s24 =	simm.s32 $0x6;
	s25 =	simm.s32 $0x0;
	[smem:$0x7FF] =	sst s2  }
0x8: {  	s7 =	sand.u32 $0x1, s3;
	s3 =	stileid.u32;
	s4 =	sadd.s32 $0x7D000, s8  }
0x9: {  	s5 =	sadd.s32 $0x17800, s8;
	s6 =	sadd.s32 $0x21800, s8;
	s9 =	smul.u32 $0x13C000, s7  }
0xa: {  	_ =	strace $0x8000004A;
	s10 =	smul.u32 $0x13C00, s3;
	s11 =	sshll.u32 s7, $0x4  }
0xb: {  	s26 =	ssub.s32 $0x2, s7;
	s12 =	smul.u32 $0x4F000, s3;
	s31 =	sshll.u32 s3, $0x6  }
0xc: {  	s11 =	sor.u32 s3, s11;
	s28 =	sshrl.u32 s26, $0x1;
	s9 =	sadd.s32 s10, s9  }
0xd: {  	s7 =	smul.u32 $0x2800, s11;
	s14 =	ssub.s32 s26, s28;
	s30 =	sshrl.u32 s12, $0x2  }
0xe: {  	s9 =	sshrl.u32 s9, $0x3;
	s15 =	sadd.s32 s30, s1;
	s12 =	smax.u32 s14, $0x1  }
0xf: {  	s14 =	simm.s32 $0x3;
	s13 =	sadd.s32 s9, s8;
	s29 =	sshrl.u32 s7, $0x3  }
0x10: {  	s9 =	sor.u32 $0x1C03, s31;
	s8 =	sadd.s32 s5, s29;
	s11 =	sadd.s32 $0x7D800, s13  }
0x11: {  	s13 =	sshrl.u32 s15, $0x3;
	s15 =	simm.s32 $0x13D00;
	s10 =	sadd.s32 $0x10, s8  }
.LBB2_1:
0x12: {  	[spmem:s13], [sflag:s9] =	dma.local [hbm:s6], $0x2780  }
0x13: {  	_ =	swait.ge [sflag:s14], $0x2780  }
0x14: {  	[sflag:s14] =	ssyncset.done $0x0  }
0x15: {  	[sflag:s14] =	ssyncadd.s32 $0xFFFFD880  }
0x16: {  	[tilespmem:s15], [sflag:$0x3] =	stream.linear.gather [hbm4b:s4+s2], $0x4000, $0x38;
	[tilespmem:$0x1BD00] =	vst v63  }
0x17: {  	_ =	swait.ge [sflag:s14], $0x4000  }
0x18: {  	[sflag:s14] =	ssyncset.done $0x0  }
0x19: {  	[sflag:s14] =	ssyncadd.s32 $0xFFFFC000  }
0x1a: {  	[tilespmem:s16], [sflag:$0x4] =	stream.linear.gather [hbm4b:s4+s2], $0x4000, $0x38;
	[tilespmem:$0x1BD00] =	vst v63  }
0x1b: {  	_ =	swait.ge [sflag:s17], $0x4000  }
0x1c: {  	[sflag:s17] =	ssyncset.done $0x0  }
0x1d: {  	[sflag:s17] =	ssyncadd.s32 $0xFFFFC000  }
0x1e: {  	[bflag:$0x0] =	sbarrier.arrive $0xFFFF  }
0x1f: {  	[tilespmem:s18], [sflag:$0x1] =	stream.linear.gather [hbm4b:s8+s2], $0x80, $0x38;
	[tilespmem:$0x1BD00] =	vst v63  }
0x20: {  	_ = 	snop  }
0x21: {  	[tilespmem:s19], [sflag:$0x2] =	stream.linear.gather [hbm4b:s10+s2], $0x80, $0x38;
	[tilespmem:$0x1BD00] =	vst v63  }
0x22: {  	_ =	swait.ge [sflag:s20], $0x80  }
0x23: {  	[sflag:s20] =	ssyncset.done $0x0  }
0x24: {  	[sflag:s20] =	ssyncadd.s32 $0xFFFFFF80  }
0x25: {  	_ =	swait.ge [sflag:s21], $0x80  }
0x26: {  	s26 =	simm.s32 $0x100;
	[sflag:s21] =	ssyncset.done $0x0  }
0x27: {  	s28 =	sand.u32 $0x7C00, s26;
	[sflag:s21] =	ssyncadd.s32 $0xFFFFFF80  }
0x28: {  	[spmem:s1] =	stream.indirect.scatter.add.f32 [tilespmem:s15], [sflag:$0x5], $0x80, s18, s22, $0xb8;
	[tilespmem:$0x1BD00] =	vst v63  }
0x29: {  	s29 =	simm.s32 $0x180;
	s26 =	sand.u32 $0x300, s26;
	s28 =	sadd.s32 s7, s28  }
0x2a: {  	[spmem:s1] =	stream.indirect.scatter.add.f32 [tilespmem:s16], [sflag:$0x6], $0x80, s19, s22, $0xb8;
	[tilespmem:$0x1BD00] =	vst v63  }
0x2b: {  	s30 =	sand.u32 $0x380, s29;
	s26 =	sor.u32 s26, s28;
	_ =	swait.ge [sflag:s23], $0x4000  }
0x2c: {  	s28 =	sand.u32 $0x7C00, s29;
	s26 =	sshrl.u32 s26, $0x3;
	[sflag:s23] =	ssyncset.done $0x0  }
0x2d: {  	s28 =	sadd.s32 s7, s28;
	s26 =	sadd.s32 s5, s26;
	[sflag:s23] =	ssyncadd.s32 $0xFFFFC000  }
0x2e: {  	[tilespmem:s18], [sflag:$0x1] =	stream.linear.gather [hbm4b:s26+s2], $0x80, $0x38;
	[tilespmem:$0x1BD00] =	vst v63  }
0x2f: {  	s28 =	sor.u32 s30, s28;
	_ =	swait.ge [sflag:s24], $0x4000  }
0x30: {  	s28 =	sshrl.u32 s28, $0x3;
	s26 =	simm.s32 $0x280;
	[sflag:s24] =	ssyncset.done $0x0  }
.LBB2_2:
0x31: {  	p0 =	sne.s32 s26, $0x2780;
	[sflag:s24] =	ssyncadd.s32 $0xFFFFC000;
	s28 =	sadd.s32 s5, s28  }
0x32: {  	[tilespmem:s19], [sflag:$0x2] =	stream.linear.gather [hbm4b:s28+s2], $0x80, $0x38;
	[tilespmem:$0x1BD00] =	vst v63  }
0x33: {  	s28 =	smov.u32 s26;
	s26 =	sadd.s32 $0x100, s26;
	_ =	swait.ge [sflag:s20], $0x80  }
0x34: {  	[sflag:s20] =	ssyncset.done $0x0  }
0x35: {  	[sflag:s20] =	ssyncadd.s32 $0xFFFFFF80  }
0x36: {  	_ =	swait.ge [sflag:s21], $0x80  }
0x37: {  	s29 =	sadd.s32 $0xFFFFFF80, s28;
	[sflag:s21] =	ssyncset.done $0x0  }
0x38: {  	s30 =	sand.u32 $0x7C00, s29;
	s29 =	sand.u32 $0x300, s29;
	[sflag:s21] =	ssyncadd.s32 $0xFFFFFF80  }
0x39: {  	[spmem:s1] =	stream.indirect.scatter.add.f32 [tilespmem:s15], [sflag:$0x5], $0x80, s18, s22, $0xb8;
	[tilespmem:$0x1BD00] =	vst v63  }
0x3a: {  	s31 =	sand.u32 $0x380, s28;
	s30 =	sadd.s32 s7, s30  }
0x3b: {  	[spmem:s1] =	stream.indirect.scatter.add.f32 [tilespmem:s16], [sflag:$0x6], $0x80, s19, s22, $0xb8;
	[tilespmem:$0x1BD00] =	vst v63  }
0x3c: {  	s28 =	sand.u32 $0x7C00, s28;
	s29 =	sor.u32 s29, s30;
	_ =	swait.ge [sflag:s23], $0x4000  }
.Ltmp0:
0x3d: {  	s29 =	sshrl.u32 s29, $0x3;
	[sflag:s23] =	ssyncset.done $0x0;
	(pc) =	sbr.rel @p0 .LBB2_2-.Ltmp0, $4  }
0x3e: {  	s28 =	sadd.s32 s7, s28;
	s29 =	sadd.s32 s5, s29;
	[sflag:s23] =	ssyncadd.s32 $0xFFFFC000  }
0x3f: {  	[tilespmem:s18], [sflag:$0x1] =	stream.linear.gather [hbm4b:s29+s2], $0x80, $0x38;
	[tilespmem:$0x1BD00] =	vst v63  }
0x40: {  	s28 =	sor.u32 s31, s28;
	_ =	swait.ge [sflag:s24], $0x4000  }
0x41: {  	s28 =	sshrl.u32 s28, $0x3;
	[sflag:s24] =	ssyncset.done $0x0  }
0x42: {  	[sflag:s24] =	ssyncadd.s32 $0xFFFFC000;
	s26 =	sadd.s32 s5, s28  }
0x43: {  	[tilespmem:s19], [sflag:$0x2] =	stream.linear.gather [hbm4b:s26+s2], $0x80, $0x38;
	[tilespmem:$0x1BD00] =	vst v63  }
0x44: {  	_ =	swait.ge [sflag:s20], $0x80  }
0x45: {  	[sflag:s20] =	ssyncset.done $0x0  }
0x46: {  	[sflag:s20] =	ssyncadd.s32 $0xFFFFFF80  }
0x47: {  	_ =	swait.ge [sflag:s21], $0x80  }
0x48: {  	[sflag:s21] =	ssyncset.done $0x0  }
0x49: {  	[sflag:s21] =	ssyncadd.s32 $0xFFFFFF80  }
0x4a: {  	[spmem:s1] =	stream.indirect.scatter.add.f32 [tilespmem:s15], [sflag:$0x5], $0x80, s18, s22, $0xb8;
	[tilespmem:$0x1BD00] =	vst v63  }
0x4b: {  	_ = 	snop  }
0x4c: {  	[spmem:s1] =	stream.indirect.scatter.add.f32 [tilespmem:s16], [sflag:$0x6], $0x80, s19, s22, $0xb8;
	[tilespmem:$0x1BD00] =	vst v63  }
0x4d: {  	_ =	swait.ge [sflag:s23], $0x4000  }
0x4e: {  	[sflag:s23] =	ssyncset.done $0x0  }
0x4f: {  	[sflag:s23] =	ssyncadd.s32 $0xFFFFC000  }
0x50: {  	_ =	swait.ge [sflag:s24], $0x4000  }
0x51: {  	s25 =	sadd.s32 $0x1, s25;
	[sflag:s24] =	ssyncset.done $0x0  }
0x52: {  	p0 =	sne.s32 s25, s12;
	[sflag:s24] =	ssyncadd.s32 $0xFFFFC000  }
.Ltmp1:
0x53: {  	[bflag:$0x0] =	sbarrier.arrive $0xFFFF;
	(pc) =	sbr.rel @p0 .LBB2_1-.Ltmp1, $4  }
0x54: {  	[hbm:s11], [sflag:s9] =	dma.local [spmem:s13], $0x2780  }
0x55: {  	_ =	swait.ge [sflag:s14], $0x2780  }
0x56: {  	[sflag:s14] =	ssyncset.done $0x0  }
0x57: {  	[sflag:s14] =	ssyncadd.s32 $0xFFFFD880  }
0x58: {  	_ =	sfence.sel $0x180000  }
0x59: {  	[bflag:$0x0] =	sbarrier.arrive $0xFFFF  }
0x5a: {  	p0 =	sne.s32 s3, $0x0;
	_ =	strace $0x9000004A  }
0x5b: {  	s0 =	sadd.s32 @!p0 $0x100000, s0;
	[bflag:$0x2] =	sbarrier.arrive $0xFFFF  }
0x5c: {  	[sflag:s0] =	ssyncadd.tile.s32 @!p0 $0x1;
	_ =	shalt  }
.Lfunc_end2:
_tile_overlayer_lowered:
.L_overlay_start_2:
0x5d: {  	(tag) =	ssettag $0x2  }
0x5e: {  	s0 =	rddreg [dreg:$0x0];
	s2 =	stileid.u32  }
0x5f: {  	s1 =	rddreg [dreg:$0x1];
	p0 =	sne.s32 s2, $0x0  }
0x60: {  	s3 =	rddreg [dreg:$0x2];
	[bflag:$0x3] =	sbarrier.arrive $0xFFFF;
	s2 =	simm.s32 @!p0 $0x1C07  }
0x61: {  	[timem:s3], [sflag:s2] =	dma.local @!p0 [hbm:s0], s1  }
0x62: {  	s0 =	simm.s32 @!p0 $0x7  }
0x63: {  	_ =	swait.ge @!p0 [sflag:s0], s1  }
0x64: {  	s1 =	ssub.s32 @!p0 $0x0, s1;
	[sflag:s0] =	ssyncset.done @!p0 $0x0  }
0x65: {  	[sflag:s0] =	ssyncadd.s32 @!p0 s1  }
0x66: {  	[bflag:$0x3] =	sbarrier.arrive $0xFFFF  }
0x67: {  	_ =	shalt  }

</sc_bundles>
